<compile_context>
chip_gen: v7x
topology: tpu7x:2x2x1
jax: 0.10.2.dev20260603
libtpu: 0.0.44.dev20260713+nightly
codegen_flags: <defaults>
</compile_context>

<pallas_src>
import functools

import jax
import jax.numpy as jnp
from jax import lax
from jax.experimental import pallas as pl
from jax.experimental.pallas import tpu as pltpu
from jax.experimental.pallas import tpu_sc as plsc

N = 10000
D = 128
DA = 144
D2 = 16
CHUNK = 128
NC = 2
NS = 16
NW = NC * NS
ROWS_ACC = 10240
RPT = ROWS_ACC // NS
RB = 2000


def _make_sc_agg(dw, e_pad):
    epw = e_pad // NW
    n_chunks = epw // CHUNK
    wide = dw > 64
    mesh = plsc.VectorSubcoreMesh(core_axis_name="c", subcore_axis_name="s")

    if wide:
        scratch = [
            pltpu.VMEM((CHUNK,), jnp.int32),
            pltpu.VMEM((CHUNK,), jnp.int32),
            pltpu.VMEM((CHUNK, dw), jnp.float32),
            pltpu.VMEM_SHARED((ROWS_ACC, dw), jnp.float32),
            pltpu.SemaphoreType.DMA,
        ]
    else:
        scratch = [
            pltpu.VMEM((CHUNK,), jnp.int32),
            pltpu.VMEM((CHUNK,), jnp.int32),
            pltpu.VMEM((CHUNK, dw), jnp.float32),
            pltpu.VMEM_SHARED((ROWS_ACC, dw), jnp.float32),
            pltpu.SemaphoreType.DMA,
        ] + 5 * [
            pltpu.VMEM((CHUNK,), jnp.int32),
            pltpu.VMEM((CHUNK,), jnp.int32),
            pltpu.VMEM((CHUNK, dw), jnp.float32),
            pltpu.SemaphoreType.DMA,
        ]

    @functools.partial(
        pl.kernel,
        out_type=jax.ShapeDtypeStruct((NC, ROWS_ACC, dw), jnp.float32),
        mesh=mesh,
        scratch_types=scratch,
        compiler_params=pltpu.CompilerParams(use_tc_tiling_on_sc=False),
    )
    def sc_agg(tbl_hbm, src_hbm, dst_hbm, out_hbm, src_v0, dst_v0,
               rows_a, acc_sh, sem_a, *extra):
        c = lax.axis_index("c")
        s = lax.axis_index("s")
        wid = s * NC + c

        zv = jnp.zeros((16,), jnp.float32)

        @pl.loop(0, CHUNK)
        def _(i):
            for j in range(dw // 16):
                rows_a[i, pl.ds(j * 16, 16)] = zv

        for k in range(RPT // CHUNK):
            pltpu.sync_copy(rows_a, acc_sh.at[pl.ds(s * RPT + k * CHUNK, CHUNK)])
        plsc.subcore_barrier()

        if wide:
            @pl.loop(0, n_chunks)
            def _(j):
                base = pl.multiple_of(wid * epw + j * CHUNK, 8)
                pltpu.sync_copy(src_hbm.at[pl.ds(base, CHUNK)], src_v0)
                pltpu.sync_copy(dst_hbm.at[pl.ds(base, CHUNK)], dst_v0)
                pltpu.async_copy(tbl_hbm.at[src_v0], rows_a, sem_a).wait()
                pltpu.sync_copy(rows_a, acc_sh.at[dst_v0], add=True)
        else:
            DEPTH = 6
            srcs = (src_v0,) + tuple(extra[0::4])
            dsts = (dst_v0,) + tuple(extra[1::4])
            rows = (rows_a,) + tuple(extra[2::4])
            sems = (sem_a,) + tuple(extra[3::4])

            @pl.loop(0, n_chunks // DEPTH)
            def _(b):
                ds = []
                for u in range(DEPTH):
                    base = pl.multiple_of(
                        wid * epw + (b * DEPTH + u) * CHUNK, 8)
                    pltpu.sync_copy(src_hbm.at[pl.ds(base, CHUNK)], srcs[u])
                    pltpu.sync_copy(dst_hbm.at[pl.ds(base, CHUNK)], dsts[u])
                    ds.append(pltpu.async_copy(tbl_hbm.at[srcs[u]], rows[u],
                                               sems[u]))
                for u in range(DEPTH):
                    ds[u].wait()
                    pltpu.sync_copy(rows[u], acc_sh.at[dsts[u]], add=True)

            for t in range(n_chunks % DEPTH):
                j = (n_chunks // DEPTH) * DEPTH + t
                base = pl.multiple_of(wid * epw + j * CHUNK, 8)
                pltpu.sync_copy(src_hbm.at[pl.ds(base, CHUNK)], src_v0)
                pltpu.sync_copy(dst_hbm.at[pl.ds(base, CHUNK)], dst_v0)
                pltpu.async_copy(tbl_hbm.at[src_v0], rows_a, sem_a).wait()
                pltpu.sync_copy(rows_a, acc_sh.at[dst_v0], add=True)

        plsc.subcore_barrier()
        pltpu.sync_copy(acc_sh.at[pl.ds(s * RPT, RPT)],
                        out_hbm.at[c, pl.ds(s * RPT, RPT)])

    return sc_agg


def _tc_mid_body(p_ref, x_ref, w1l_ref, b1l_ref, w1r_ref, w2l_ref, b2l_ref,
                 w2r_ref, wc_ref, bc_ref, o_ref):
    psum = p_ref[0] + p_ref[1]
    cnt = psum[:, D]
    inv = 1.0 / jnp.maximum(cnt, 1.0)
    mean = psum[:, :D] * inv[:, None]
    h = jnp.maximum(
        jnp.dot(mean, w1l_ref[...], preferred_element_type=jnp.float32)
        + jnp.dot(x_ref[...], w1r_ref[...], preferred_element_type=jnp.float32)
        + b1l_ref[...], 0.0)
    a = jnp.dot(w2l_ref[...], wc_ref[...], preferred_element_type=jnp.float32)
    b = jnp.dot(w2r_ref[...], wc_ref[...], preferred_element_type=jnp.float32)
    g = jnp.dot(h, a, preferred_element_type=jnp.float32)
    r = (jnp.dot(h, b, preferred_element_type=jnp.float32)
         + jnp.dot(b2l_ref[...], wc_ref[...], preferred_element_type=jnp.float32)
         + bc_ref[...])
    o_ref[...] = jnp.concatenate(
        [g, r, inv[:, None], jnp.zeros((RB, D2 - 5), jnp.float32)], axis=1)


def _tc_mid(p, x, w1l, b1l, w1r, w2l, b2l, w2r, wc, bc):
    full = lambda shp: pl.BlockSpec(shp, lambda i: tuple(0 for _ in shp))
    return pl.pallas_call(
        _tc_mid_body,
        grid=(N // RB,),
        in_specs=[
            pl.BlockSpec((NC, RB, DA), lambda i: (0, i, 0)),
            pl.BlockSpec((RB, D), lambda i: (i, 0)),
            full((D, D)), full((1, D)), full((D, D)), full((D, D)),
            full((1, D)), full((D, D)), full((D, 2)), full((1, 2)),
        ],
        out_specs=pl.BlockSpec((RB, D2), lambda i: (i, 0)),
        out_shape=jax.ShapeDtypeStruct((N, D2), jnp.float32),
    )(p, x, w1l, b1l, w1r, w2l, b2l, w2r, wc, bc)


def _tc_out_body(q_ref, t_ref, o_ref):
    qsum = q_ref[0] + q_ref[1]
    o_ref[...] = qsum[:, :2] * t_ref[:, 4:5] + t_ref[:, 2:4]


def _tc_out(q, t):
    return pl.pallas_call(
        _tc_out_body,
        grid=(N // RB,),
        in_specs=[
            pl.BlockSpec((NC, RB, D2), lambda i: (0, i, 0)),
            pl.BlockSpec((RB, D2), lambda i: (i, 0)),
        ],
        out_specs=pl.BlockSpec((RB, 2), lambda i: (i, 0)),
        out_shape=jax.ShapeDtypeStruct((N, 2), jnp.float32),
    )(q, t)


def kernel(x, edge_index, W1_l, b1_l, W1_r, W2_l, b2_l, W2_r, Wc, bc):
    n, d = x.shape
    e = edge_index.shape[1]
    e_pad = -(-e // (NW * CHUNK)) * (NW * CHUNK)
    src = edge_index[0].astype(jnp.int32)
    dst = edge_index[1].astype(jnp.int32)
    if e_pad > e:
        src = jnp.concatenate([src, jnp.zeros((e_pad - e,), jnp.int32)])
        dst = jnp.concatenate([dst, jnp.full((e_pad - e,), n, jnp.int32)])

    x_aug = jnp.concatenate(
        [x, jnp.ones((n, 1), jnp.float32), jnp.zeros((n, DA - D - 1), jnp.float32)],
        axis=1)

    p1 = _make_sc_agg(DA, e_pad)(x_aug, src, dst)
    t = _tc_mid(p1, x,
                W1_l, b1_l.reshape(1, D), W1_r,
                W2_l, b2_l.reshape(1, D), W2_r,
                Wc, bc.reshape(1, 2))
    p2 = _make_sc_agg(D2, e_pad)(t, src, dst)
    return _tc_out(p2, t)

# --- scband reference (transcript-rebuilt; emitter-appended) ---
"""Pipeline reference for scband-graph-sage-86698209837070 (READ-ONLY COPY).

The authoritative reference and input builder live on the scoring server;
editing this copy changes nothing except your own understanding.
"""

import jax, jax.numpy as jnp
import numpy as np

N_NODES = 10000
N_EDGES = 320000
D_IN = 128
D_HID = 128
N_CLASSES = 2


def _glorot(key, shape):
    fan_in, fan_out = shape[0], shape[1]
    limit = jnp.sqrt(6.0 / (fan_in + fan_out))
    return jax.random.uniform(key, shape, minval=-limit, maxval=limit, dtype=jnp.float32)


def setup_inputs(seed: int = 0) -> dict:
    key = jax.random.key(seed)
    ks = jax.random.split(key, 12)
    x = jax.random.normal(ks[0], (N_NODES, D_IN), dtype=jnp.float32)
    edge_index = jax.random.randint(ks[1], (2, N_EDGES), 0, N_NODES, dtype=jnp.int64 if jax.config.read('jax_enable_x64') else jnp.int32)
    # SAGEConv params (PyG-style): lin_l applied to aggregated neighbors (with bias), lin_r to root (no bias)
    W1_l = _glorot(ks[2], (D_IN, D_HID))
    b1_l = jnp.zeros((D_HID,), dtype=jnp.float32)
    W1_r = _glorot(ks[3], (D_IN, D_HID))
    W2_l = _glorot(ks[4], (D_HID, D_HID))
    b2_l = jnp.zeros((D_HID,), dtype=jnp.float32)
    W2_r = _glorot(ks[5], (D_HID, D_HID))
    Wc = _glorot(ks[6], (D_HID, N_CLASSES))
    bc = jnp.zeros((N_CLASSES,), dtype=jnp.float32)
    return {"x": x, "edge_index": edge_index,
            "W1_l": W1_l, "b1_l": b1_l, "W1_r": W1_r,
            "W2_l": W2_l, "b2_l": b2_l, "W2_r": W2_r,
            "Wc": Wc, "bc": bc}


def _sage_conv(x, src, dst, W_l, b_l, W_r, n_nodes):
    # mean aggregation of source-node features onto destination nodes
    msg = jnp.take(x, src, axis=0)
    agg = jax.ops.segment_sum(msg, dst, num_segments=n_nodes)
    cnt = jax.ops.segment_sum(jnp.ones((src.shape[0],), dtype=x.dtype), dst, num_segments=n_nodes)
    agg = agg / jnp.clip(cnt, 1.0, None)[:, None]
    return agg @ W_l + b_l + x @ W_r


def reference(x, edge_index, W1_l, b1_l, W1_r, W2_l, b2_l, W2_r, Wc, bc):
    src = edge_index[0]
    dst = edge_index[1]
    n = x.shape[0]
    h = _sage_conv(x, src, dst, W1_l, b1_l, W1_r, n)
    h = jax.nn.relu(h)
    h = _sage_conv(h, src, dst, W2_l, b2_l, W2_r, n)
    out = h @ Wc + bc
    return out

if __name__ == "__main__":
    import jax
    _d = setup_inputs()
    print(jax.jit(kernel)(*tuple(_d.values())))

</pallas_src>

<mosaic_0001>
#map = affine_map<(d0, d1) -> (0, 0)>
#map1 = affine_map<(d0, d1) -> (0)>
#map2 = affine_map<(d0, d1) -> (0, 0, 0)>
module attributes {stable_mosaic.version = 14 : i64} {
  func.func @sc_agg(%arg0: i32, %arg1: i32, %arg2: memref<10000x144xf32, #tpu.memory_space<hbm>>, %arg3: memref<323584xi32, #tpu.memory_space<hbm>>, %arg4: memref<323584xi32, #tpu.memory_space<hbm>>, %arg5: memref<2x10240x144xf32, #tpu.memory_space<hbm>>, %arg6: memref<128xi32, #tpu.memory_space<vmem>>, %arg7: memref<128xi32, #tpu.memory_space<vmem>>, %arg8: memref<128x144xf32, #tpu.memory_space<vmem>>, %arg9: memref<10240x144xf32, #tpu.memory_space<vmem_shared>>, %arg10: memref<!tpu.dma_semaphore, #tpu.memory_space<semaphore_mem>>) attributes {dimension_semantics = [#tpu.dimension_semantics<core_parallel>, #tpu.dimension_semantics<subcore_parallel>], iteration_bounds = array<i64: 2, 16>, scalar_prefetch = 0 : i64, scratch_operands = 5 : i64, tpu.core_type = #tpu.core_type<sc_vector_subcore>, window_params = [{transform_indices = #map}, {transform_indices = #map1}, {transform_indices = #map1}, {transform_indices = #map2}]} {
    %mul3A = arith.constant 2 : i32
    %mul3A_0 = arith.muli %arg1, %mul3A : i32
    %add3A = arith.addi %mul3A_0, %arg0 : i32
    %broadcast_in_dim3A = arith.constant 0.000000e+00 : f32
    %broadcast_in_dim3A_1 = vector.broadcast %broadcast_in_dim3A : f32 to vector<16xf32>
    %scan3A = arith.constant 0 : i32
    %scan3A_2 = arith.constant 128 : i32
    %scan3A_3 = arith.addi %scan3A, %scan3A_2 : i32
    %scan3A_4 = arith.constant 1 : i32
    scf.for %scan3A_36 = %scan3A to %scan3A_3 step %scan3A_4  : i32 {
      %mul3A_37 = arith.constant 1 : i32
      %mul3A_38 = arith.muli %scan3A_36, %mul3A_37 : i32
      %add3A_39 = arith.constant 0 : i32
      %add3A_40 = arith.addi %add3A_39, %mul3A_38 : i32
      %swap3A = arith.index_cast %add3A_40 : i32 to index
      %swap3A_41 = arith.constant 0 : index
      %swap3A_42 = tpu.vector_load %arg8[%swap3A, %swap3A_41] {strides = array<i32>} : memref<128x144xf32, #tpu.memory_space<vmem>>, vector<1x16xf32>,
      %swap3A_43 = vector.shape_cast %swap3A_42 : vector<1x16xf32> to vector<16xf32>
      %swap3A_44 = vector.shape_cast %broadcast_in_dim3A_1 : vector<16xf32> to vector<1x16xf32>
      tpu.vector_store %arg8[%swap3A, %swap3A_41], %swap3A_44 {strides = array<i32>} : memref<128x144xf32, #tpu.memory_space<vmem>>, vector<1x16xf32>,
      %swap3A_45 = arith.index_cast %add3A_40 : i32 to index
      %swap3A_46 = arith.constant 16 : index
      %swap3A_47 = tpu.vector_load %arg8[%swap3A_45, %swap3A_46] {strides = array<i32>} : memref<128x144xf32, #tpu.memory_space<vmem>>, vector<1x16xf32>,
      %swap3A_48 = vector.shape_cast %swap3A_47 : vector<1x16xf32> to vector<16xf32>
      %swap3A_49 = vector.shape_cast %broadcast_in_dim3A_1 : vector<16xf32> to vector<1x16xf32>
      tpu.vector_store %arg8[%swap3A_45, %swap3A_46], %swap3A_49 {strides = array<i32>} : memref<128x144xf32, #tpu.memory_space<vmem>>, vector<1x16xf32>,
      %swap3A_50 = arith.index_cast %add3A_40 : i32 to index
      %swap3A_51 = arith.constant 32 : index
      %swap3A_52 = tpu.vector_load %arg8[%swap3A_50, %swap3A_51] {strides = array<i32>} : memref<128x144xf32, #tpu.memory_space<vmem>>, vector<1x16xf32>,
      %swap3A_53 = vector.shape_cast %swap3A_52 : vector<1x16xf32> to vector<16xf32>
      %swap3A_54 = vector.shape_cast %broadcast_in_dim3A_1 : vector<16xf32> to vector<1x16xf32>
      tpu.vector_store %arg8[%swap3A_50, %swap3A_51], %swap3A_54 {strides = array<i32>} : memref<128x144xf32, #tpu.memory_space<vmem>>, vector<1x16xf32>,
      %swap3A_55 = arith.index_cast %add3A_40 : i32 to index
      %swap3A_56 = arith.constant 48 : index
      %swap3A_57 = tpu.vector_load %arg8[%swap3A_55, %swap3A_56] {strides = array<i32>} : memref<128x144xf32, #tpu.memory_space<vmem>>, vector<1x16xf32>,
      %swap3A_58 = vector.shape_cast %swap3A_57 : vector<1x16xf32> to vector<16xf32>
      %swap3A_59 = vector.shape_cast %broadcast_in_dim3A_1 : vector<16xf32> to vector<1x16xf32>
      tpu.vector_store %arg8[%swap3A_55, %swap3A_56], %swap3A_59 {strides = array<i32>} : memref<128x144xf32, #tpu.memory_space<vmem>>, vector<1x16xf32>,
      %swap3A_60 = arith.index_cast %add3A_40 : i32 to index
      %swap3A_61 = arith.constant 64 : index
      %swap3A_62 = tpu.vector_load %arg8[%swap3A_60, %swap3A_61] {strides = array<i32>} : memref<128x144xf32, #tpu.memory_space<vmem>>, vector<1x16xf32>,
      %swap3A_63 = vector.shape_cast %swap3A_62 : vector<1x16xf32> to vector<16xf32>
      %swap3A_64 = vector.shape_cast %broadcast_in_dim3A_1 : vector<16xf32> to vector<1x16xf32>
      tpu.vector_store %arg8[%swap3A_60, %swap3A_61], %swap3A_64 {strides = array<i32>} : memref<128x144xf32, #tpu.memory_space<vmem>>, vector<1x16xf32>,
      %swap3A_65 = arith.index_cast %add3A_40 : i32 to index
      %swap3A_66 = arith.constant 80 : index
      %swap3A_67 = tpu.vector_load %arg8[%swap3A_65, %swap3A_66] {strides = array<i32>} : memref<128x144xf32, #tpu.memory_space<vmem>>, vector<1x16xf32>,
      %swap3A_68 = vector.shape_cast %swap3A_67 : vector<1x16xf32> to vector<16xf32>
      %swap3A_69 = vector.shape_cast %broadcast_in_dim3A_1 : vector<16xf32> to vector<1x16xf32>
      tpu.vector_store %arg8[%swap3A_65, %swap3A_66], %swap3A_69 {strides = array<i32>} : memref<128x144xf32, #tpu.memory_space<vmem>>, vector<1x16xf32>,
      %swap3A_70 = arith.index_cast %add3A_40 : i32 to index
      %swap3A_71 = arith.constant 96 : index
      %swap3A_72 = tpu.vector_load %arg8[%swap3A_70, %swap3A_71] {strides = array<i32>} : memref<128x144xf32, #tpu.memory_space<vmem>>, vector<1x16xf32>,
      %swap3A_73 = vector.shape_cast %swap3A_72 : vector<1x16xf32> to vector<16xf32>
      %swap3A_74 = vector.shape_cast %broadcast_in_dim3A_1 : vector<16xf32> to vector<1x16xf32>
      tpu.vector_store %arg8[%swap3A_70, %swap3A_71], %swap3A_74 {strides = array<i32>} : memref<128x144xf32, #tpu.memory_space<vmem>>, vector<1x16xf32>,
      %swap3A_75 = arith.index_cast %add3A_40 : i32 to index
      %swap3A_76 = arith.constant 112 : index
      %swap3A_77 = tpu.vector_load %arg8[%swap3A_75, %swap3A_76] {strides = array<i32>} : memref<128x144xf32, #tpu.memory_space<vmem>>, vector<1x16xf32>,
      %swap3A_78 = vector.shape_cast %swap3A_77 : vector<1x16xf32> to vector<16xf32>
      %swap3A_79 = vector.shape_cast %broadcast_in_dim3A_1 : vector<16xf32> to vector<1x16xf32>
      tpu.vector_store %arg8[%swap3A_75, %swap3A_76], %swap3A_79 {strides = array<i32>} : memref<128x144xf32, #tpu.memory_space<vmem>>, vector<1x16xf32>,
      %swap3A_80 = arith.index_cast %add3A_40 : i32 to index
      %swap3A_81 = arith.constant 128 : index
      %swap3A_82 = tpu.vector_load %arg8[%swap3A_80, %swap3A_81] {strides = array<i32>} : memref<128x144xf32, #tpu.memory_space<vmem>>, vector<1x16xf32>,
      %swap3A_83 = vector.shape_cast %swap3A_82 : vector<1x16xf32> to vector<16xf32>
      %swap3A_84 = vector.shape_cast %broadcast_in_dim3A_1 : vector<16xf32> to vector<1x16xf32>
      tpu.vector_store %arg8[%swap3A_80, %swap3A_81], %swap3A_84 {strides = array<i32>} : memref<128x144xf32, #tpu.memory_space<vmem>>, vector<1x16xf32>,
    }
    %scan3A_5 = arith.constant 128 : i32
    %mul3A_6 = arith.constant 640 : i32
    %mul3A_7 = arith.muli %arg1, %mul3A_6 : i32
    %add3A_8 = arith.constant 0 : i32
    %add3A_9 = arith.addi %mul3A_7, %add3A_8 : i32
    "tpu.region"() ({
      %run_scoped3A = tpu.sem_alloc : memref<!tpu.dma_semaphore, #tpu.memory_space<semaphore_mem>>
      %dma_start3A = arith.constant 0 : i32
      %dma_start3A_36 = tpu.memref_slice %arg9[%add3A_9, %dma_start3A] : memref<10240x144xf32, #tpu.memory_space<vmem_shared>> -> memref<128x144xf32, #tpu.memory_space<vmem_shared>>
      %dma_start3A_37 = arith.constant 0 : i32
      %dma_start3A_38 = tpu.memref_slice %arg9[%add3A_9, %dma_start3A_37] : memref<10240x144xf32, #tpu.memory_space<vmem_shared>> -> memref<128x144xf32, #tpu.memory_space<vmem_shared>>
      tpu.enqueue_dma source(%arg8 : memref<128x144xf32, #tpu.memory_space<vmem>>) target(%dma_start3A_38 : memref<128x144xf32, #tpu.memory_space<vmem_shared>>) target_semaphore(%run_scoped3A : memref<!tpu.dma_semaphore, #tpu.memory_space<semaphore_mem>>)
      %dma_wait3A = arith.constant 0 : i32
      %dma_wait3A_39 = tpu.memref_slice %arg9[%add3A_9, %dma_wait3A] : memref<10240x144xf32, #tpu.memory_space<vmem_shared>> -> memref<128x144xf32, #tpu.memory_space<vmem_shared>>
      %dma_wait3A_40 = arith.constant 0 : i32
      %dma_wait3A_41 = tpu.memref_slice %arg9[%add3A_9, %dma_wait3A_40] : memref<10240x144xf32, #tpu.memory_space<vmem_shared>> -> memref<128x144xf32, #tpu.memory_space<vmem_shared>>
      tpu.wait_dma2 semaphore(%run_scoped3A : memref<!tpu.dma_semaphore, #tpu.memory_space<semaphore_mem>>) src(%arg8 : memref<128x144xf32, #tpu.memory_space<vmem>>) dst(%dma_wait3A_41 : memref<128x144xf32, #tpu.memory_space<vmem_shared>>)
      tpu.yield
    }) : () -> ()
    %mul3A_10 = arith.constant 640 : i32
    %mul3A_11 = arith.muli %arg1, %mul3A_10 : i32
    %add3A_12 = arith.constant 128 : i32
    %add3A_13 = arith.addi %mul3A_11, %add3A_12 : i32
    "tpu.region"() ({
      %run_scoped3A = tpu.sem_alloc : memref<!tpu.dma_semaphore, #tpu.memory_space<semaphore_mem>>
      %dma_start3A = arith.constant 0 : i32
      %dma_start3A_36 = tpu.memref_slice %arg9[%add3A_13, %dma_start3A] : memref<10240x144xf32, #tpu.memory_space<vmem_shared>> -> memref<128x144xf32, #tpu.memory_space<vmem_shared>>
      %dma_start3A_37 = arith.constant 0 : i32
      %dma_start3A_38 = tpu.memref_slice %arg9[%add3A_13, %dma_start3A_37] : memref<10240x144xf32, #tpu.memory_space<vmem_shared>> -> memref<128x144xf32, #tpu.memory_space<vmem_shared>>
      tpu.enqueue_dma source(%arg8 : memref<128x144xf32, #tpu.memory_space<vmem>>) target(%dma_start3A_38 : memref<128x144xf32, #tpu.memory_space<vmem_shared>>) target_semaphore(%run_scoped3A : memref<!tpu.dma_semaphore, #tpu.memory_space<semaphore_mem>>)
      %dma_wait3A = arith.constant 0 : i32
      %dma_wait3A_39 = tpu.memref_slice %arg9[%add3A_13, %dma_wait3A] : memref<10240x144xf32, #tpu.memory_space<vmem_shared>> -> memref<128x144xf32, #tpu.memory_space<vmem_shared>>
      %dma_wait3A_40 = arith.constant 0 : i32
      %dma_wait3A_41 = tpu.memref_slice %arg9[%add3A_13, %dma_wait3A_40] : memref<10240x144xf32, #tpu.memory_space<vmem_shared>> -> memref<128x144xf32, #tpu.memory_space<vmem_shared>>
      tpu.wait_dma2 semaphore(%run_scoped3A : memref<!tpu.dma_semaphore, #tpu.memory_space<semaphore_mem>>) src(%arg8 : memref<128x144xf32, #tpu.memory_space<vmem>>) dst(%dma_wait3A_41 : memref<128x144xf32, #tpu.memory_space<vmem_shared>>)
      tpu.yield
    }) : () -> ()
    %mul3A_14 = arith.constant 640 : i32
    %mul3A_15 = arith.muli %arg1, %mul3A_14 : i32
    %add3A_16 = arith.constant 256 : i32
    %add3A_17 = arith.addi %mul3A_15, %add3A_16 : i32
    "tpu.region"() ({
      %run_scoped3A = tpu.sem_alloc : memref<!tpu.dma_semaphore, #tpu.memory_space<semaphore_mem>>
      %dma_start3A = arith.constant 0 : i32
      %dma_start3A_36 = tpu.memref_slice %arg9[%add3A_17, %dma_start3A] : memref<10240x144xf32, #tpu.memory_space<vmem_shared>> -> memref<128x144xf32, #tpu.memory_space<vmem_shared>>
      %dma_start3A_37 = arith.constant 0 : i32
      %dma_start3A_38 = tpu.memref_slice %arg9[%add3A_17, %dma_start3A_37] : memref<10240x144xf32, #tpu.memory_space<vmem_shared>> -> memref<128x144xf32, #tpu.memory_space<vmem_shared>>
      tpu.enqueue_dma source(%arg8 : memref<128x144xf32, #tpu.memory_space<vmem>>) target(%dma_start3A_38 : memref<128x144xf32, #tpu.memory_space<vmem_shared>>) target_semaphore(%run_scoped3A : memref<!tpu.dma_semaphore, #tpu.memory_space<semaphore_mem>>)
      %dma_wait3A = arith.constant 0 : i32
      %dma_wait3A_39 = tpu.memref_slice %arg9[%add3A_17, %dma_wait3A] : memref<10240x144xf32, #tpu.memory_space<vmem_shared>> -> memref<128x144xf32, #tpu.memory_space<vmem_shared>>
      %dma_wait3A_40 = arith.constant 0 : i32
      %dma_wait3A_41 = tpu.memref_slice %arg9[%add3A_17, %dma_wait3A_40] : memref<10240x144xf32, #tpu.memory_space<vmem_shared>> -> memref<128x144xf32, #tpu.memory_space<vmem_shared>>
      tpu.wait_dma2 semaphore(%run_scoped3A : memref<!tpu.dma_semaphore, #tpu.memory_space<semaphore_mem>>) src(%arg8 : memref<128x144xf32, #tpu.memory_space<vmem>>) dst(%dma_wait3A_41 : memref<128x144xf32, #tpu.memory_space<vmem_shared>>)
      tpu.yield
    }) : () -> ()
    %mul3A_18 = arith.constant 640 : i32
    %mul3A_19 = arith.muli %arg1, %mul3A_18 : i32
    %add3A_20 = arith.constant 384 : i32
    %add3A_21 = arith.addi %mul3A_19, %add3A_20 : i32
    "tpu.region"() ({
      %run_scoped3A = tpu.sem_alloc : memref<!tpu.dma_semaphore, #tpu.memory_space<semaphore_mem>>
      %dma_start3A = arith.constant 0 : i32
      %dma_start3A_36 = tpu.memref_slice %arg9[%add3A_21, %dma_start3A] : memref<10240x144xf32, #tpu.memory_space<vmem_shared>> -> memref<128x144xf32, #tpu.memory_space<vmem_shared>>
      %dma_start3A_37 = arith.constant 0 : i32
      %dma_start3A_38 = tpu.memref_slice %arg9[%add3A_21, %dma_start3A_37] : memref<10240x144xf32, #tpu.memory_space<vmem_shared>> -> memref<128x144xf32, #tpu.memory_space<vmem_shared>>
      tpu.enqueue_dma source(%arg8 : memref<128x144xf32, #tpu.memory_space<vmem>>) target(%dma_start3A_38 : memref<128x144xf32, #tpu.memory_space<vmem_shared>>) target_semaphore(%run_scoped3A : memref<!tpu.dma_semaphore, #tpu.memory_space<semaphore_mem>>)
      %dma_wait3A = arith.constant 0 : i32
      %dma_wait3A_39 = tpu.memref_slice %arg9[%add3A_21, %dma_wait3A] : memref<10240x144xf32, #tpu.memory_space<vmem_shared>> -> memref<128x144xf32, #tpu.memory_space<vmem_shared>>
      %dma_wait3A_40 = arith.constant 0 : i32
      %dma_wait3A_41 = tpu.memref_slice %arg9[%add3A_21, %dma_wait3A_40] : memref<10240x144xf32, #tpu.memory_space<vmem_shared>> -> memref<128x144xf32, #tpu.memory_space<vmem_shared>>
      tpu.wait_dma2 semaphore(%run_scoped3A : memref<!tpu.dma_semaphore, #tpu.memory_space<semaphore_mem>>) src(%arg8 : memref<128x144xf32, #tpu.memory_space<vmem>>) dst(%dma_wait3A_41 : memref<128x144xf32, #tpu.memory_space<vmem_shared>>)
      tpu.yield
    }) : () -> ()
    %mul3A_22 = arith.constant 640 : i32
    %mul3A_23 = arith.muli %arg1, %mul3A_22 : i32
    %add3A_24 = arith.constant 512 : i32
    %add3A_25 = arith.addi %mul3A_23, %add3A_24 : i32
    "tpu.region"() ({
      %run_scoped3A = tpu.sem_alloc : memref<!tpu.dma_semaphore, #tpu.memory_space<semaphore_mem>>
      %dma_start3A = arith.constant 0 : i32
      %dma_start3A_36 = tpu.memref_slice %arg9[%add3A_25, %dma_start3A] : memref<10240x144xf32, #tpu.memory_space<vmem_shared>> -> memref<128x144xf32, #tpu.memory_space<vmem_shared>>
      %dma_start3A_37 = arith.constant 0 : i32
      %dma_start3A_38 = tpu.memref_slice %arg9[%add3A_25, %dma_start3A_37] : memref<10240x144xf32, #tpu.memory_space<vmem_shared>> -> memref<128x144xf32, #tpu.memory_space<vmem_shared>>
      tpu.enqueue_dma source(%arg8 : memref<128x144xf32, #tpu.memory_space<vmem>>) target(%dma_start3A_38 : memref<128x144xf32, #tpu.memory_space<vmem_shared>>) target_semaphore(%run_scoped3A : memref<!tpu.dma_semaphore, #tpu.memory_space<semaphore_mem>>)
      %dma_wait3A = arith.constant 0 : i32
      %dma_wait3A_39 = tpu.memref_slice %arg9[%add3A_25, %dma_wait3A] : memref<10240x144xf32, #tpu.memory_space<vmem_shared>> -> memref<128x144xf32, #tpu.memory_space<vmem_shared>>
      %dma_wait3A_40 = arith.constant 0 : i32
      %dma_wait3A_41 = tpu.memref_slice %arg9[%add3A_25, %dma_wait3A_40] : memref<10240x144xf32, #tpu.memory_space<vmem_shared>> -> memref<128x144xf32, #tpu.memory_space<vmem_shared>>
      tpu.wait_dma2 semaphore(%run_scoped3A : memref<!tpu.dma_semaphore, #tpu.memory_space<semaphore_mem>>) src(%arg8 : memref<128x144xf32, #tpu.memory_space<vmem>>) dst(%dma_wait3A_41 : memref<128x144xf32, #tpu.memory_space<vmem_shared>>)
      tpu.yield
    }) : () -> ()
    %barrier3A = arith.constant 0 : index
    tpu.barrier barrier_id(%barrier3A)
    %scan3A_26 = arith.constant 0 : i32
    %scan3A_27 = arith.constant 79 : i32
    %scan3A_28 = arith.addi %scan3A_26, %scan3A_27 : i32
    %scan3A_29 = arith.constant 1 : i32
    scf.for %scan3A_36 = %scan3A_26 to %scan3A_28 step %scan3A_29  : i32 {
      %mul3A_37 = arith.constant 1 : i32
      %mul3A_38 = arith.muli %scan3A_36, %mul3A_37 : i32
      %add3A_39 = arith.constant 0 : i32
      %add3A_40 = arith.addi %add3A_39, %mul3A_38 : i32
      %mul3A_41 = arith.constant 10112 : i32
      %mul3A_42 = arith.muli %add3A, %mul3A_41 : i32
      %mul3A_43 = arith.constant 128 : i32
      %mul3A_44 = arith.muli %add3A_40, %mul3A_43 : i32
      %add3A_45 = arith.addi %mul3A_42, %mul3A_44 : i32
      %multiple_of3A = tpu.assume_multiple %add3A_45, 8 : i32
      "tpu.region"() ({
        %run_scoped3A = tpu.sem_alloc : memref<!tpu.dma_semaphore, #tpu.memory_space<semaphore_mem>>
        %dma_start3A_50 = tpu.memref_slice %arg3[%multiple_of3A] : memref<323584xi32, #tpu.memory_space<hbm>> -> memref<128xi32, #tpu.memory_space<hbm>>
        %dma_start3A_51 = tpu.memref_slice %arg3[%multiple_of3A] : memref<323584xi32, #tpu.memory_space<hbm>> -> memref<128xi32, #tpu.memory_space<hbm>>
        tpu.enqueue_dma source(%dma_start3A_51 : memref<128xi32, #tpu.memory_space<hbm>>) target(%arg6 : memref<128xi32, #tpu.memory_space<vmem>>) target_semaphore(%run_scoped3A : memref<!tpu.dma_semaphore, #tpu.memory_space<semaphore_mem>>)
        %dma_wait3A_52 = tpu.memref_slice %arg3[%multiple_of3A] : memref<323584xi32, #tpu.memory_space<hbm>> -> memref<128xi32, #tpu.memory_space<hbm>>
        %dma_wait3A_53 = tpu.memref_slice %arg3[%multiple_of3A] : memref<323584xi32, #tpu.memory_space<hbm>> -> memref<128xi32, #tpu.memory_space<hbm>>
        tpu.wait_dma2 semaphore(%run_scoped3A : memref<!tpu.dma_semaphore, #tpu.memory_space<semaphore_mem>>) src(%dma_wait3A_53 : memref<128xi32, #tpu.memory_space<hbm>>) dst(%arg6 : memref<128xi32, #tpu.memory_space<vmem>>)
        tpu.yield
      }) : () -> ()
      "tpu.region"() ({
        %run_scoped3A = tpu.sem_alloc : memref<!tpu.dma_semaphore, #tpu.memory_space<semaphore_mem>>
        %dma_start3A_50 = tpu.memref_slice %arg4[%multiple_of3A] : memref<323584xi32, #tpu.memory_space<hbm>> -> memref<128xi32, #tpu.memory_space<hbm>>
        %dma_start3A_51 = tpu.memref_slice %arg4[%multiple_of3A] : memref<323584xi32, #tpu.memory_space<hbm>> -> memref<128xi32, #tpu.memory_space<hbm>>
        tpu.enqueue_dma source(%dma_start3A_51 : memref<128xi32, #tpu.memory_space<hbm>>) target(%arg7 : memref<128xi32, #tpu.memory_space<vmem>>) target_semaphore(%run_scoped3A : memref<!tpu.dma_semaphore, #tpu.memory_space<semaphore_mem>>)
        %dma_wait3A_52 = tpu.memref_slice %arg4[%multiple_of3A] : memref<323584xi32, #tpu.memory_space<hbm>> -> memref<128xi32, #tpu.memory_space<hbm>>
        %dma_wait3A_53 = tpu.memref_slice %arg4[%multiple_of3A] : memref<323584xi32, #tpu.memory_space<hbm>> -> memref<128xi32, #tpu.memory_space<hbm>>
        tpu.wait_dma2 semaphore(%run_scoped3A : memref<!tpu.dma_semaphore, #tpu.memory_space<semaphore_mem>>) src(%dma_wait3A_53 : memref<128xi32, #tpu.memory_space<hbm>>) dst(%arg7 : memref<128xi32, #tpu.memory_space<vmem>>)
        tpu.yield
      }) : () -> ()
      %dma_start3A = arith.constant 0 : i32
      %dma_start3A_46 = arith.constant 0 : i32
      %dma_start3A_47 = tpu.memref_slice %arg2[%dma_start3A, %dma_start3A_46] : memref<10000x144xf32, #tpu.memory_space<hbm>> -> memref<10000x144xf32, #tpu.memory_space<hbm>>
      tpu.enqueue_indirect_dma source(%dma_start3A_47 : memref<10000x144xf32, #tpu.memory_space<hbm>>) target(%arg8 : memref<128x144xf32, #tpu.memory_space<vmem>>) offsets(%arg6 : memref<128xi32, #tpu.memory_space<vmem>>) semaphore(%arg10 : memref<!tpu.dma_semaphore, #tpu.memory_space<semaphore_mem>>)
      %dma_wait3A = arith.constant 0 : i32
      %dma_wait3A_48 = arith.constant 0 : i32
      %dma_wait3A_49 = tpu.memref_slice %arg2[%dma_wait3A, %dma_wait3A_48] : memref<10000x144xf32, #tpu.memory_space<hbm>> -> memref<10000x144xf32, #tpu.memory_space<hbm>>
      tpu.wait_indirect_dma semaphore(%arg10 : memref<!tpu.dma_semaphore, #tpu.memory_space<semaphore_mem>>) src(%dma_wait3A_49 : memref<10000x144xf32, #tpu.memory_space<hbm>>) dst(%arg8 : memref<128x144xf32, #tpu.memory_space<vmem>>)
      "tpu.region"() ({
        %run_scoped3A = tpu.sem_alloc : memref<!tpu.dma_semaphore, #tpu.memory_space<semaphore_mem>>
        %dma_start3A_50 = arith.constant 0 : i32
        %dma_start3A_51 = arith.constant 0 : i32
        %dma_start3A_52 = tpu.memref_slice %arg9[%dma_start3A_50, %dma_start3A_51] : memref<10240x144xf32, #tpu.memory_space<vmem_shared>> -> memref<10240x144xf32, #tpu.memory_space<vmem_shared>>
        tpu.enqueue_indirect_dma source(%arg8 : memref<128x144xf32, #tpu.memory_space<vmem>>) target(%dma_start3A_52 : memref<10240x144xf32, #tpu.memory_space<vmem_shared>>) offsets(%arg7 : memref<128xi32, #tpu.memory_space<vmem>>) semaphore(%run_scoped3A : memref<!tpu.dma_semaphore, #tpu.memory_space<semaphore_mem>>) {add = true}
        %dma_wait3A_53 = arith.constant 0 : i32
        %dma_wait3A_54 = arith.constant 0 : i32
        %dma_wait3A_55 = tpu.memref_slice %arg9[%dma_wait3A_53, %dma_wait3A_54] : memref<10240x144xf32, #tpu.memory_space<vmem_shared>> -> memref<10240x144xf32, #tpu.memory_space<vmem_shared>>
        tpu.wait_indirect_dma semaphore(%run_scoped3A : memref<!tpu.dma_semaphore, #tpu.memory_space<semaphore_mem>>) src(%arg8 : memref<128x144xf32, #tpu.memory_space<vmem>>) dst(%dma_wait3A_55 : memref<10240x144xf32, #tpu.memory_space<vmem_shared>>)
        tpu.yield
      }) : () -> ()
    }
    %scan3A_30 = arith.constant 79 : i32
    %barrier3A_31 = arith.constant 0 : index
    tpu.barrier barrier_id(%barrier3A_31)
    %mul3A_32 = arith.constant 640 : i32
    %mul3A_33 = arith.muli %arg1, %mul3A_32 : i32
    %mul3A_34 = arith.constant 640 : i32
    %mul3A_35 = arith.muli %arg1, %mul3A_34 : i32
    "tpu.region"() ({
      %run_scoped3A = tpu.sem_alloc : memref<!tpu.dma_semaphore, #tpu.memory_space<semaphore_mem>>
      %dma_start3A = arith.constant 0 : i32
      %dma_start3A_36 = tpu.memref_slice %arg5[%arg0, %mul3A_35, %dma_start3A] : memref<2x10240x144xf32, #tpu.memory_space<hbm>> -> memref<1x640x144xf32, #tpu.memory_space<hbm>>
      %dma_start3A_37 = tpu.memref_squeeze %dma_start3A_36 : memref<1x640x144xf32, #tpu.memory_space<hbm>> -> memref<640x144xf32, #tpu.memory_space<hbm>>
      %dma_start3A_38 = arith.constant 0 : i32
      %dma_start3A_39 = tpu.memref_slice %arg9[%mul3A_33, %dma_start3A_38] : memref<10240x144xf32, #tpu.memory_space<vmem_shared>> -> memref<640x144xf32, #tpu.memory_space<vmem_shared>>
      tpu.enqueue_dma source(%dma_start3A_39 : memref<640x144xf32, #tpu.memory_space<vmem_shared>>) target(%dma_start3A_37 : memref<640x144xf32, #tpu.memory_space<hbm>>) target_semaphore(%run_scoped3A : memref<!tpu.dma_semaphore, #tpu.memory_space<semaphore_mem>>)
      %dma_wait3A = arith.constant 0 : i32
      %dma_wait3A_40 = tpu.memref_slice %arg5[%arg0, %mul3A_35, %dma_wait3A] : memref<2x10240x144xf32, #tpu.memory_space<hbm>> -> memref<1x640x144xf32, #tpu.memory_space<hbm>>
      %dma_wait3A_41 = tpu.memref_squeeze %dma_wait3A_40 : memref<1x640x144xf32, #tpu.memory_space<hbm>> -> memref<640x144xf32, #tpu.memory_space<hbm>>
      %dma_wait3A_42 = arith.constant 0 : i32
      %dma_wait3A_43 = tpu.memref_slice %arg9[%mul3A_33, %dma_wait3A_42] : memref<10240x144xf32, #tpu.memory_space<vmem_shared>> -> memref<640x144xf32, #tpu.memory_space<vmem_shared>>
      tpu.wait_dma2 semaphore(%run_scoped3A : memref<!tpu.dma_semaphore, #tpu.memory_space<semaphore_mem>>) src(%dma_wait3A_43 : memref<640x144xf32, #tpu.memory_space<vmem_shared>>) dst(%dma_wait3A_41 : memref<640x144xf32, #tpu.memory_space<hbm>>)
      tpu.yield
    }) : () -> ()
    return
  }
}

#map = affine_map<(d0, d1) -> (0, 0)>
#map1 = affine_map<(d0, d1) -> (0)>
#map2 = affine_map<(d0, d1) -> (0, 0, 0)>
module attributes {stable_mosaic.version = 14 : i64} {
  func.func @sc_agg(%arg0: i32, %arg1: i32, %arg2: memref<10000x16xf32, #tpu.memory_space<hbm>>, %arg3: memref<323584xi32, #tpu.memory_space<hbm>>, %arg4: memref<323584xi32, #tpu.memory_space<hbm>>, %arg5: memref<2x10240x16xf32, #tpu.memory_space<hbm>>, %arg6: memref<128xi32, #tpu.memory_space<vmem>>, %arg7: memref<128xi32, #tpu.memory_space<vmem>>, %arg8: memref<128x16xf32, #tpu.memory_space<vmem>>, %arg9: memref<10240x16xf32, #tpu.memory_space<vmem_shared>>, %arg10: memref<!tpu.dma_semaphore, #tpu.memory_space<semaphore_mem>>, %arg11: memref<128xi32, #tpu.memory_space<vmem>>, %arg12: memref<128xi32, #tpu.memory_space<vmem>>, %arg13: memref<128x16xf32, #tpu.memory_space<vmem>>, %arg14: memref<!tpu.dma_semaphore, #tpu.memory_space<semaphore_mem>>, %arg15: memref<128xi32, #tpu.memory_space<vmem>>, %arg16: memref<128xi32, #tpu.memory_space<vmem>>, %arg17: memref<128x16xf32, #tpu.memory_space<vmem>>, %arg18: memref<!tpu.dma_semaphore, #tpu.memory_space<semaphore_mem>>, %arg19: memref<128xi32, #tpu.memory_space<vmem>>, %arg20: memref<128xi32, #tpu.memory_space<vmem>>, %arg21: memref<128x16xf32, #tpu.memory_space<vmem>>, %arg22: memref<!tpu.dma_semaphore, #tpu.memory_space<semaphore_mem>>, %arg23: memref<128xi32, #tpu.memory_space<vmem>>, %arg24: memref<128xi32, #tpu.memory_space<vmem>>, %arg25: memref<128x16xf32, #tpu.memory_space<vmem>>, %arg26: memref<!tpu.dma_semaphore, #tpu.memory_space<semaphore_mem>>, %arg27: memref<128xi32, #tpu.memory_space<vmem>>, %arg28: memref<128xi32, #tpu.memory_space<vmem>>, %arg29: memref<128x16xf32, #tpu.memory_space<vmem>>, %arg30: memref<!tpu.dma_semaphore, #tpu.memory_space<semaphore_mem>>) attributes {dimension_semantics = [#tpu.dimension_semantics<core_parallel>, #tpu.dimension_semantics<subcore_parallel>], iteration_bounds = array<i64: 2, 16>, scalar_prefetch = 0 : i64, scratch_operands = 25 : i64, tpu.core_type = #tpu.core_type<sc_vector_subcore>, window_params = [{transform_indices = #map}, {transform_indices = #map1}, {transform_indices = #map1}, {transform_indices = #map2}]} {
    %mul3A = arith.constant 2 : i32
    %mul3A_0 = arith.muli %arg1, %mul3A : i32
    %add3A = arith.addi %mul3A_0, %arg0 : i32
    %broadcast_in_dim3A = arith.constant 0.000000e+00 : f32
    %broadcast_in_dim3A_1 = vector.broadcast %broadcast_in_dim3A : f32 to vector<16xf32>
    %scan3A = arith.constant 0 : i32
    %scan3A_2 = arith.constant 128 : i32
    %scan3A_3 = arith.addi %scan3A, %scan3A_2 : i32
    %scan3A_4 = arith.constant 1 : i32
    scf.for %scan3A_44 = %scan3A to %scan3A_3 step %scan3A_4  : i32 {
      %mul3A_45 = arith.constant 1 : i32
      %mul3A_46 = arith.muli %scan3A_44, %mul3A_45 : i32
      %add3A_47 = arith.constant 0 : i32
      %add3A_48 = arith.addi %add3A_47, %mul3A_46 : i32
      %swap3A = arith.index_cast %add3A_48 : i32 to index
      %swap3A_49 = arith.constant 0 : index
      %swap3A_50 = tpu.vector_load %arg8[%swap3A, %swap3A_49] {strides = array<i32>} : memref<128x16xf32, #tpu.memory_space<vmem>>, vector<1x16xf32>,
      %swap3A_51 = vector.shape_cast %swap3A_50 : vector<1x16xf32> to vector<16xf32>
      %swap3A_52 = vector.shape_cast %broadcast_in_dim3A_1 : vector<16xf32> to vector<1x16xf32>
      tpu.vector_store %arg8[%swap3A, %swap3A_49], %swap3A_52 {strides = array<i32>} : memref<128x16xf32, #tpu.memory_space<vmem>>, vector<1x16xf32>,
    }
    %scan3A_5 = arith.constant 128 : i32
    %mul3A_6 = arith.constant 640 : i32
    %mul3A_7 = arith.muli %arg1, %mul3A_6 : i32
    %add3A_8 = arith.constant 0 : i32
    %add3A_9 = arith.addi %mul3A_7, %add3A_8 : i32
    "tpu.region"() ({
      %run_scoped3A = tpu.sem_alloc : memref<!tpu.dma_semaphore, #tpu.memory_space<semaphore_mem>>
      %dma_start3A_44 = arith.constant 0 : i32
      %dma_start3A_45 = tpu.memref_slice %arg9[%add3A_9, %dma_start3A_44] : memref<10240x16xf32, #tpu.memory_space<vmem_shared>> -> memref<128x16xf32, #tpu.memory_space<vmem_shared>>
      %dma_start3A_46 = arith.constant 0 : i32
      %dma_start3A_47 = tpu.memref_slice %arg9[%add3A_9, %dma_start3A_46] : memref<10240x16xf32, #tpu.memory_space<vmem_shared>> -> memref<128x16xf32, #tpu.memory_space<vmem_shared>>
      tpu.enqueue_dma source(%arg8 : memref<128x16xf32, #tpu.memory_space<vmem>>) target(%dma_start3A_47 : memref<128x16xf32, #tpu.memory_space<vmem_shared>>) target_semaphore(%run_scoped3A : memref<!tpu.dma_semaphore, #tpu.memory_space<semaphore_mem>>)
      %dma_wait3A_48 = arith.constant 0 : i32
      %dma_wait3A_49 = tpu.memref_slice %arg9[%add3A_9, %dma_wait3A_48] : memref<10240x16xf32, #tpu.memory_space<vmem_shared>> -> memref<128x16xf32, #tpu.memory_space<vmem_shared>>
      %dma_wait3A_50 = arith.constant 0 : i32
      %dma_wait3A_51 = tpu.memref_slice %arg9[%add3A_9, %dma_wait3A_50] : memref<10240x16xf32, #tpu.memory_space<vmem_shared>> -> memref<128x16xf32, #tpu.memory_space<vmem_shared>>
      tpu.wait_dma2 semaphore(%run_scoped3A : memref<!tpu.dma_semaphore, #tpu.memory_space<semaphore_mem>>) src(%arg8 : memref<128x16xf32, #tpu.memory_space<vmem>>) dst(%dma_wait3A_51 : memref<128x16xf32, #tpu.memory_space<vmem_shared>>)
      tpu.yield
    }) : () -> ()
    %mul3A_10 = arith.constant 640 : i32
    %mul3A_11 = arith.muli %arg1, %mul3A_10 : i32
    %add3A_12 = arith.constant 128 : i32
    %add3A_13 = arith.addi %mul3A_11, %add3A_12 : i32
    "tpu.region"() ({
      %run_scoped3A = tpu.sem_alloc : memref<!tpu.dma_semaphore, #tpu.memory_space<semaphore_mem>>
      %dma_start3A_44 = arith.constant 0 : i32
      %dma_start3A_45 = tpu.memref_slice %arg9[%add3A_13, %dma_start3A_44] : memref<10240x16xf32, #tpu.memory_space<vmem_shared>> -> memref<128x16xf32, #tpu.memory_space<vmem_shared>>
      %dma_start3A_46 = arith.constant 0 : i32
      %dma_start3A_47 = tpu.memref_slice %arg9[%add3A_13, %dma_start3A_46] : memref<10240x16xf32, #tpu.memory_space<vmem_shared>> -> memref<128x16xf32, #tpu.memory_space<vmem_shared>>
      tpu.enqueue_dma source(%arg8 : memref<128x16xf32, #tpu.memory_space<vmem>>) target(%dma_start3A_47 : memref<128x16xf32, #tpu.memory_space<vmem_shared>>) target_semaphore(%run_scoped3A : memref<!tpu.dma_semaphore, #tpu.memory_space<semaphore_mem>>)
      %dma_wait3A_48 = arith.constant 0 : i32
      %dma_wait3A_49 = tpu.memref_slice %arg9[%add3A_13, %dma_wait3A_48] : memref<10240x16xf32, #tpu.memory_space<vmem_shared>> -> memref<128x16xf32, #tpu.memory_space<vmem_shared>>
      %dma_wait3A_50 = arith.constant 0 : i32
      %dma_wait3A_51 = tpu.memref_slice %arg9[%add3A_13, %dma_wait3A_50] : memref<10240x16xf32, #tpu.memory_space<vmem_shared>> -> memref<128x16xf32, #tpu.memory_space<vmem_shared>>
      tpu.wait_dma2 semaphore(%run_scoped3A : memref<!tpu.dma_semaphore, #tpu.memory_space<semaphore_mem>>) src(%arg8 : memref<128x16xf32, #tpu.memory_space<vmem>>) dst(%dma_wait3A_51 : memref<128x16xf32, #tpu.memory_space<vmem_shared>>)
      tpu.yield
    }) : () -> ()
    %mul3A_14 = arith.constant 640 : i32
    %mul3A_15 = arith.muli %arg1, %mul3A_14 : i32
    %add3A_16 = arith.constant 256 : i32
    %add3A_17 = arith.addi %mul3A_15, %add3A_16 : i32
    "tpu.region"() ({
      %run_scoped3A = tpu.sem_alloc : memref<!tpu.dma_semaphore, #tpu.memory_space<semaphore_mem>>
      %dma_start3A_44 = arith.constant 0 : i32
      %dma_start3A_45 = tpu.memref_slice %arg9[%add3A_17, %dma_start3A_44] : memref<10240x16xf32, #tpu.memory_space<vmem_shared>> -> memref<128x16xf32, #tpu.memory_space<vmem_shared>>
      %dma_start3A_46 = arith.constant 0 : i32
      %dma_start3A_47 = tpu.memref_slice %arg9[%add3A_17, %dma_start3A_46] : memref<10240x16xf32, #tpu.memory_space<vmem_shared>> -> memref<128x16xf32, #tpu.memory_space<vmem_shared>>
      tpu.enqueue_dma source(%arg8 : memref<128x16xf32, #tpu.memory_space<vmem>>) target(%dma_start3A_47 : memref<128x16xf32, #tpu.memory_space<vmem_shared>>) target_semaphore(%run_scoped3A : memref<!tpu.dma_semaphore, #tpu.memory_space<semaphore_mem>>)
      %dma_wait3A_48 = arith.constant 0 : i32
      %dma_wait3A_49 = tpu.memref_slice %arg9[%add3A_17, %dma_wait3A_48] : memref<10240x16xf32, #tpu.memory_space<vmem_shared>> -> memref<128x16xf32, #tpu.memory_space<vmem_shared>>
      %dma_wait3A_50 = arith.constant 0 : i32
      %dma_wait3A_51 = tpu.memref_slice %arg9[%add3A_17, %dma_wait3A_50] : memref<10240x16xf32, #tpu.memory_space<vmem_shared>> -> memref<128x16xf32, #tpu.memory_space<vmem_shared>>
      tpu.wait_dma2 semaphore(%run_scoped3A : memref<!tpu.dma_semaphore, #tpu.memory_space<semaphore_mem>>) src(%arg8 : memref<128x16xf32, #tpu.memory_space<vmem>>) dst(%dma_wait3A_51 : memref<128x16xf32, #tpu.memory_space<vmem_shared>>)
      tpu.yield
    }) : () -> ()
    %mul3A_18 = arith.constant 640 : i32
    %mul3A_19 = arith.muli %arg1, %mul3A_18 : i32
    %add3A_20 = arith.constant 384 : i32
    %add3A_21 = arith.addi %mul3A_19, %add3A_20 : i32
    "tpu.region"() ({
      %run_scoped3A = tpu.sem_alloc : memref<!tpu.dma_semaphore, #tpu.memory_space<semaphore_mem>>
      %dma_start3A_44 = arith.constant 0 : i32
      %dma_start3A_45 = tpu.memref_slice %arg9[%add3A_21, %dma_start3A_44] : memref<10240x16xf32, #tpu.memory_space<vmem_shared>> -> memref<128x16xf32, #tpu.memory_space<vmem_shared>>
      %dma_start3A_46 = arith.constant 0 : i32
      %dma_start3A_47 = tpu.memref_slice %arg9[%add3A_21, %dma_start3A_46] : memref<10240x16xf32, #tpu.memory_space<vmem_shared>> -> memref<128x16xf32, #tpu.memory_space<vmem_shared>>
      tpu.enqueue_dma source(%arg8 : memref<128x16xf32, #tpu.memory_space<vmem>>) target(%dma_start3A_47 : memref<128x16xf32, #tpu.memory_space<vmem_shared>>) target_semaphore(%run_scoped3A : memref<!tpu.dma_semaphore, #tpu.memory_space<semaphore_mem>>)
      %dma_wait3A_48 = arith.constant 0 : i32
      %dma_wait3A_49 = tpu.memref_slice %arg9[%add3A_21, %dma_wait3A_48] : memref<10240x16xf32, #tpu.memory_space<vmem_shared>> -> memref<128x16xf32, #tpu.memory_space<vmem_shared>>
      %dma_wait3A_50 = arith.constant 0 : i32
      %dma_wait3A_51 = tpu.memref_slice %arg9[%add3A_21, %dma_wait3A_50] : memref<10240x16xf32, #tpu.memory_space<vmem_shared>> -> memref<128x16xf32, #tpu.memory_space<vmem_shared>>
      tpu.wait_dma2 semaphore(%run_scoped3A : memref<!tpu.dma_semaphore, #tpu.memory_space<semaphore_mem>>) src(%arg8 : memref<128x16xf32, #tpu.memory_space<vmem>>) dst(%dma_wait3A_51 : memref<128x16xf32, #tpu.memory_space<vmem_shared>>)
      tpu.yield
    }) : () -> ()
    %mul3A_22 = arith.constant 640 : i32
    %mul3A_23 = arith.muli %arg1, %mul3A_22 : i32
    %add3A_24 = arith.constant 512 : i32
    %add3A_25 = arith.addi %mul3A_23, %add3A_24 : i32
    "tpu.region"() ({
      %run_scoped3A = tpu.sem_alloc : memref<!tpu.dma_semaphore, #tpu.memory_space<semaphore_mem>>
      %dma_start3A_44 = arith.constant 0 : i32
      %dma_start3A_45 = tpu.memref_slice %arg9[%add3A_25, %dma_start3A_44] : memref<10240x16xf32, #tpu.memory_space<vmem_shared>> -> memref<128x16xf32, #tpu.memory_space<vmem_shared>>
      %dma_start3A_46 = arith.constant 0 : i32
      %dma_start3A_47 = tpu.memref_slice %arg9[%add3A_25, %dma_start3A_46] : memref<10240x16xf32, #tpu.memory_space<vmem_shared>> -> memref<128x16xf32, #tpu.memory_space<vmem_shared>>
      tpu.enqueue_dma source(%arg8 : memref<128x16xf32, #tpu.memory_space<vmem>>) target(%dma_start3A_47 : memref<128x16xf32, #tpu.memory_space<vmem_shared>>) target_semaphore(%run_scoped3A : memref<!tpu.dma_semaphore, #tpu.memory_space<semaphore_mem>>)
      %dma_wait3A_48 = arith.constant 0 : i32
      %dma_wait3A_49 = tpu.memref_slice %arg9[%add3A_25, %dma_wait3A_48] : memref<10240x16xf32, #tpu.memory_space<vmem_shared>> -> memref<128x16xf32, #tpu.memory_space<vmem_shared>>
      %dma_wait3A_50 = arith.constant 0 : i32
      %dma_wait3A_51 = tpu.memref_slice %arg9[%add3A_25, %dma_wait3A_50] : memref<10240x16xf32, #tpu.memory_space<vmem_shared>> -> memref<128x16xf32, #tpu.memory_space<vmem_shared>>
      tpu.wait_dma2 semaphore(%run_scoped3A : memref<!tpu.dma_semaphore, #tpu.memory_space<semaphore_mem>>) src(%arg8 : memref<128x16xf32, #tpu.memory_space<vmem>>) dst(%dma_wait3A_51 : memref<128x16xf32, #tpu.memory_space<vmem_shared>>)
      tpu.yield
    }) : () -> ()
    %barrier3A = arith.constant 0 : index
    tpu.barrier barrier_id(%barrier3A)
    %scan3A_26 = arith.constant 0 : i32
    %scan3A_27 = arith.constant 13 : i32
    %scan3A_28 = arith.addi %scan3A_26, %scan3A_27 : i32
    %scan3A_29 = arith.constant 1 : i32
    scf.for %scan3A_44 = %scan3A_26 to %scan3A_28 step %scan3A_29  : i32 {
      %mul3A_45 = arith.constant 1 : i32
      %mul3A_46 = arith.muli %scan3A_44, %mul3A_45 : i32
      %add3A_47 = arith.constant 0 : i32
      %add3A_48 = arith.addi %add3A_47, %mul3A_46 : i32
      %mul3A_49 = arith.constant 10112 : i32
      %mul3A_50 = arith.muli %add3A, %mul3A_49 : i32
      %mul3A_51 = arith.constant 6 : i32
      %mul3A_52 = arith.muli %add3A_48, %mul3A_51 : i32
      %add3A_53 = arith.constant 0 : i32
      %add3A_54 = arith.addi %mul3A_52, %add3A_53 : i32
      %mul3A_55 = arith.constant 128 : i32
      %mul3A_56 = arith.muli %add3A_54, %mul3A_55 : i32
      %add3A_57 = arith.addi %mul3A_50, %mul3A_56 : i32
      %multiple_of3A_58 = tpu.assume_multiple %add3A_57, 8 : i32
      "tpu.region"() ({
        %run_scoped3A = tpu.sem_alloc : memref<!tpu.dma_semaphore, #tpu.memory_space<semaphore_mem>>
        %dma_start3A_145 = tpu.memref_slice %arg3[%multiple_of3A_58] : memref<323584xi32, #tpu.memory_space<hbm>> -> memref<128xi32, #tpu.memory_space<hbm>>
        %dma_start3A_146 = tpu.memref_slice %arg3[%multiple_of3A_58] : memref<323584xi32, #tpu.memory_space<hbm>> -> memref<128xi32, #tpu.memory_space<hbm>>
        tpu.enqueue_dma source(%dma_start3A_146 : memref<128xi32, #tpu.memory_space<hbm>>) target(%arg6 : memref<128xi32, #tpu.memory_space<vmem>>) target_semaphore(%run_scoped3A : memref<!tpu.dma_semaphore, #tpu.memory_space<semaphore_mem>>)
        %dma_wait3A_147 = tpu.memref_slice %arg3[%multiple_of3A_58] : memref<323584xi32, #tpu.memory_space<hbm>> -> memref<128xi32, #tpu.memory_space<hbm>>
        %dma_wait3A_148 = tpu.memref_slice %arg3[%multiple_of3A_58] : memref<323584xi32, #tpu.memory_space<hbm>> -> memref<128xi32, #tpu.memory_space<hbm>>
        tpu.wait_dma2 semaphore(%run_scoped3A : memref<!tpu.dma_semaphore, #tpu.memory_space<semaphore_mem>>) src(%dma_wait3A_148 : memref<128xi32, #tpu.memory_space<hbm>>) dst(%arg6 : memref<128xi32, #tpu.memory_space<vmem>>)
        tpu.yield
      }) : () -> ()
      "tpu.region"() ({
        %run_scoped3A = tpu.sem_alloc : memref<!tpu.dma_semaphore, #tpu.memory_space<semaphore_mem>>
        %dma_start3A_145 = tpu.memref_slice %arg4[%multiple_of3A_58] : memref<323584xi32, #tpu.memory_space<hbm>> -> memref<128xi32, #tpu.memory_space<hbm>>
        %dma_start3A_146 = tpu.memref_slice %arg4[%multiple_of3A_58] : memref<323584xi32, #tpu.memory_space<hbm>> -> memref<128xi32, #tpu.memory_space<hbm>>
        tpu.enqueue_dma source(%dma_start3A_146 : memref<128xi32, #tpu.memory_space<hbm>>) target(%arg7 : memref<128xi32, #tpu.memory_space<vmem>>) target_semaphore(%run_scoped3A : memref<!tpu.dma_semaphore, #tpu.memory_space<semaphore_mem>>)
        %dma_wait3A_147 = tpu.memref_slice %arg4[%multiple_of3A_58] : memref<323584xi32, #tpu.memory_space<hbm>> -> memref<128xi32, #tpu.memory_space<hbm>>
        %dma_wait3A_148 = tpu.memref_slice %arg4[%multiple_of3A_58] : memref<323584xi32, #tpu.memory_space<hbm>> -> memref<128xi32, #tpu.memory_space<hbm>>
        tpu.wait_dma2 semaphore(%run_scoped3A : memref<!tpu.dma_semaphore, #tpu.memory_space<semaphore_mem>>) src(%dma_wait3A_148 : memref<128xi32, #tpu.memory_space<hbm>>) dst(%arg7 : memref<128xi32, #tpu.memory_space<vmem>>)
        tpu.yield
      }) : () -> ()
      %dma_start3A_59 = arith.constant 0 : i32
      %dma_start3A_60 = arith.constant 0 : i32
      %dma_start3A_61 = tpu.memref_slice %arg2[%dma_start3A_59, %dma_start3A_60] : memref<10000x16xf32, #tpu.memory_space<hbm>> -> memref<10000x16xf32, #tpu.memory_space<hbm>>
      tpu.enqueue_indirect_dma source(%dma_start3A_61 : memref<10000x16xf32, #tpu.memory_space<hbm>>) target(%arg8 : memref<128x16xf32, #tpu.memory_space<vmem>>) offsets(%arg6 : memref<128xi32, #tpu.memory_space<vmem>>) semaphore(%arg10 : memref<!tpu.dma_semaphore, #tpu.memory_space<semaphore_mem>>)
      %mul3A_62 = arith.constant 10112 : i32
      %mul3A_63 = arith.muli %add3A, %mul3A_62 : i32
      %mul3A_64 = arith.constant 6 : i32
      %mul3A_65 = arith.muli %add3A_48, %mul3A_64 : i32
      %add3A_66 = arith.constant 1 : i32
      %add3A_67 = arith.addi %mul3A_65, %add3A_66 : i32
      %mul3A_68 = arith.constant 128 : i32
      %mul3A_69 = arith.muli %add3A_67, %mul3A_68 : i32
      %add3A_70 = arith.addi %mul3A_63, %mul3A_69 : i32
      %multiple_of3A_71 = tpu.assume_multiple %add3A_70, 8 : i32
      "tpu.region"() ({
        %run_scoped3A = tpu.sem_alloc : memref<!tpu.dma_semaphore, #tpu.memory_space<semaphore_mem>>
        %dma_start3A_145 = tpu.memref_slice %arg3[%multiple_of3A_71] : memref<323584xi32, #tpu.memory_space<hbm>> -> memref<128xi32, #tpu.memory_space<hbm>>
        %dma_start3A_146 = tpu.memref_slice %arg3[%multiple_of3A_71] : memref<323584xi32, #tpu.memory_space<hbm>> -> memref<128xi32, #tpu.memory_space<hbm>>
        tpu.enqueue_dma source(%dma_start3A_146 : memref<128xi32, #tpu.memory_space<hbm>>) target(%arg11 : memref<128xi32, #tpu.memory_space<vmem>>) target_semaphore(%run_scoped3A : memref<!tpu.dma_semaphore, #tpu.memory_space<semaphore_mem>>)
        %dma_wait3A_147 = tpu.memref_slice %arg3[%multiple_of3A_71] : memref<323584xi32, #tpu.memory_space<hbm>> -> memref<128xi32, #tpu.memory_space<hbm>>
        %dma_wait3A_148 = tpu.memref_slice %arg3[%multiple_of3A_71] : memref<323584xi32, #tpu.memory_space<hbm>> -> memref<128xi32, #tpu.memory_space<hbm>>
        tpu.wait_dma2 semaphore(%run_scoped3A : memref<!tpu.dma_semaphore, #tpu.memory_space<semaphore_mem>>) src(%dma_wait3A_148 : memref<128xi32, #tpu.memory_space<hbm>>) dst(%arg11 : memref<128xi32, #tpu.memory_space<vmem>>)
        tpu.yield
      }) : () -> ()
      "tpu.region"() ({
        %run_scoped3A = tpu.sem_alloc : memref<!tpu.dma_semaphore, #tpu.memory_space<semaphore_mem>>
        %dma_start3A_145 = tpu.memref_slice %arg4[%multiple_of3A_71] : memref<323584xi32, #tpu.memory_space<hbm>> -> memref<128xi32, #tpu.memory_space<hbm>>
        %dma_start3A_146 = tpu.memref_slice %arg4[%multiple_of3A_71] : memref<323584xi32, #tpu.memory_space<hbm>> -> memref<128xi32, #tpu.memory_space<hbm>>
        tpu.enqueue_dma source(%dma_start3A_146 : memref<128xi32, #tpu.memory_space<hbm>>) target(%arg12 : memref<128xi32, #tpu.memory_space<vmem>>) target_semaphore(%run_scoped3A : memref<!tpu.dma_semaphore, #tpu.memory_space<semaphore_mem>>)
        %dma_wait3A_147 = tpu.memref_slice %arg4[%multiple_of3A_71] : memref<323584xi32, #tpu.memory_space<hbm>> -> memref<128xi32, #tpu.memory_space<hbm>>
        %dma_wait3A_148 = tpu.memref_slice %arg4[%multiple_of3A_71] : memref<323584xi32, #tpu.memory_space<hbm>> -> memref<128xi32, #tpu.memory_space<hbm>>
        tpu.wait_dma2 semaphore(%run_scoped3A : memref<!tpu.dma_semaphore, #tpu.memory_space<semaphore_mem>>) src(%dma_wait3A_148 : memref<128xi32, #tpu.memory_space<hbm>>) dst(%arg12 : memref<128xi32, #tpu.memory_space<vmem>>)
        tpu.yield
      }) : () -> ()
      %dma_start3A_72 = arith.constant 0 : i32
      %dma_start3A_73 = arith.constant 0 : i32
      %dma_start3A_74 = tpu.memref_slice %arg2[%dma_start3A_72, %dma_start3A_73] : memref<10000x16xf32, #tpu.memory_space<hbm>> -> memref<10000x16xf32, #tpu.memory_space<hbm>>
      tpu.enqueue_indirect_dma source(%dma_start3A_74 : memref<10000x16xf32, #tpu.memory_space<hbm>>) target(%arg13 : memref<128x16xf32, #tpu.memory_space<vmem>>) offsets(%arg11 : memref<128xi32, #tpu.memory_space<vmem>>) semaphore(%arg14 : memref<!tpu.dma_semaphore, #tpu.memory_space<semaphore_mem>>)
      %mul3A_75 = arith.constant 10112 : i32
      %mul3A_76 = arith.muli %add3A, %mul3A_75 : i32
      %mul3A_77 = arith.constant 6 : i32
      %mul3A_78 = arith.muli %add3A_48, %mul3A_77 : i32
      %add3A_79 = arith.constant 2 : i32
      %add3A_80 = arith.addi %mul3A_78, %add3A_79 : i32
      %mul3A_81 = arith.constant 128 : i32
      %mul3A_82 = arith.muli %add3A_80, %mul3A_81 : i32
      %add3A_83 = arith.addi %mul3A_76, %mul3A_82 : i32
      %multiple_of3A_84 = tpu.assume_multiple %add3A_83, 8 : i32
      "tpu.region"() ({
        %run_scoped3A = tpu.sem_alloc : memref<!tpu.dma_semaphore, #tpu.memory_space<semaphore_mem>>
        %dma_start3A_145 = tpu.memref_slice %arg3[%multiple_of3A_84] : memref<323584xi32, #tpu.memory_space<hbm>> -> memref<128xi32, #tpu.memory_space<hbm>>
        %dma_start3A_146 = tpu.memref_slice %arg3[%multiple_of3A_84] : memref<323584xi32, #tpu.memory_space<hbm>> -> memref<128xi32, #tpu.memory_space<hbm>>
        tpu.enqueue_dma source(%dma_start3A_146 : memref<128xi32, #tpu.memory_space<hbm>>) target(%arg15 : memref<128xi32, #tpu.memory_space<vmem>>) target_semaphore(%run_scoped3A : memref<!tpu.dma_semaphore, #tpu.memory_space<semaphore_mem>>)
        %dma_wait3A_147 = tpu.memref_slice %arg3[%multiple_of3A_84] : memref<323584xi32, #tpu.memory_space<hbm>> -> memref<128xi32, #tpu.memory_space<hbm>>
        %dma_wait3A_148 = tpu.memref_slice %arg3[%multiple_of3A_84] : memref<323584xi32, #tpu.memory_space<hbm>> -> memref<128xi32, #tpu.memory_space<hbm>>
        tpu.wait_dma2 semaphore(%run_scoped3A : memref<!tpu.dma_semaphore, #tpu.memory_space<semaphore_mem>>) src(%dma_wait3A_148 : memref<128xi32, #tpu.memory_space<hbm>>) dst(%arg15 : memref<128xi32, #tpu.memory_space<vmem>>)
        tpu.yield
      }) : () -> ()
      "tpu.region"() ({
        %run_scoped3A = tpu.sem_alloc : memref<!tpu.dma_semaphore, #tpu.memory_space<semaphore_mem>>
        %dma_start3A_145 = tpu.memref_slice %arg4[%multiple_of3A_84] : memref<323584xi32, #tpu.memory_space<hbm>> -> memref<128xi32, #tpu.memory_space<hbm>>
        %dma_start3A_146 = tpu.memref_slice %arg4[%multiple_of3A_84] : memref<323584xi32, #tpu.memory_space<hbm>> -> memref<128xi32, #tpu.memory_space<hbm>>
        tpu.enqueue_dma source(%dma_start3A_146 : memref<128xi32, #tpu.memory_space<hbm>>) target(%arg16 : memref<128xi32, #tpu.memory_space<vmem>>) target_semaphore(%run_scoped3A : memref<!tpu.dma_semaphore, #tpu.memory_space<semaphore_mem>>)
        %dma_wait3A_147 = tpu.memref_slice %arg4[%multiple_of3A_84] : memref<323584xi32, #tpu.memory_space<hbm>> -> memref<128xi32, #tpu.memory_space<hbm>>
        %dma_wait3A_148 = tpu.memref_slice %arg4[%multiple_of3A_84] : memref<323584xi32, #tpu.memory_space<hbm>> -> memref<128xi32, #tpu.memory_space<hbm>>
        tpu.wait_dma2 semaphore(%run_scoped3A : memref<!tpu.dma_semaphore, #tpu.memory_space<semaphore_mem>>) src(%dma_wait3A_148 : memref<128xi32, #tpu.memory_space<hbm>>) dst(%arg16 : memref<128xi32, #tpu.memory_space<vmem>>)
        tpu.yield
      }) : () -> ()
      %dma_start3A_85 = arith.constant 0 : i32
      %dma_start3A_86 = arith.constant 0 : i32
      %dma_start3A_87 = tpu.memref_slice %arg2[%dma_start3A_85, %dma_start3A_86] : memref<10000x16xf32, #tpu.memory_space<hbm>> -> memref<10000x16xf32, #tpu.memory_space<hbm>>
      tpu.enqueue_indirect_dma source(%dma_start3A_87 : memref<10000x16xf32, #tpu.memory_space<hbm>>) target(%arg17 : memref<128x16xf32, #tpu.memory_space<vmem>>) offsets(%arg15 : memref<128xi32, #tpu.memory_space<vmem>>) semaphore(%arg18 : memref<!tpu.dma_semaphore, #tpu.memory_space<semaphore_mem>>)
      %mul3A_88 = arith.constant 10112 : i32
      %mul3A_89 = arith.muli %add3A, %mul3A_88 : i32
      %mul3A_90 = arith.constant 6 : i32
      %mul3A_91 = arith.muli %add3A_48, %mul3A_90 : i32
      %add3A_92 = arith.constant 3 : i32
      %add3A_93 = arith.addi %mul3A_91, %add3A_92 : i32
      %mul3A_94 = arith.constant 128 : i32
      %mul3A_95 = arith.muli %add3A_93, %mul3A_94 : i32
      %add3A_96 = arith.addi %mul3A_89, %mul3A_95 : i32
      %multiple_of3A_97 = tpu.assume_multiple %add3A_96, 8 : i32
      "tpu.region"() ({
        %run_scoped3A = tpu.sem_alloc : memref<!tpu.dma_semaphore, #tpu.memory_space<semaphore_mem>>
        %dma_start3A_145 = tpu.memref_slice %arg3[%multiple_of3A_97] : memref<323584xi32, #tpu.memory_space<hbm>> -> memref<128xi32, #tpu.memory_space<hbm>>
        %dma_start3A_146 = tpu.memref_slice %arg3[%multiple_of3A_97] : memref<323584xi32, #tpu.memory_space<hbm>> -> memref<128xi32, #tpu.memory_space<hbm>>
        tpu.enqueue_dma source(%dma_start3A_146 : memref<128xi32, #tpu.memory_space<hbm>>) target(%arg19 : memref<128xi32, #tpu.memory_space<vmem>>) target_semaphore(%run_scoped3A : memref<!tpu.dma_semaphore, #tpu.memory_space<semaphore_mem>>)
        %dma_wait3A_147 = tpu.memref_slice %arg3[%multiple_of3A_97] : memref<323584xi32, #tpu.memory_space<hbm>> -> memref<128xi32, #tpu.memory_space<hbm>>
        %dma_wait3A_148 = tpu.memref_slice %arg3[%multiple_of3A_97] : memref<323584xi32, #tpu.memory_space<hbm>> -> memref<128xi32, #tpu.memory_space<hbm>>
        tpu.wait_dma2 semaphore(%run_scoped3A : memref<!tpu.dma_semaphore, #tpu.memory_space<semaphore_mem>>) src(%dma_wait3A_148 : memref<128xi32, #tpu.memory_space<hbm>>) dst(%arg19 : memref<128xi32, #tpu.memory_space<vmem>>)
        tpu.yield
      }) : () -> ()
      "tpu.region"() ({
        %run_scoped3A = tpu.sem_alloc : memref<!tpu.dma_semaphore, #tpu.memory_space<semaphore_mem>>
        %dma_start3A_145 = tpu.memref_slice %arg4[%multiple_of3A_97] : memref<323584xi32, #tpu.memory_space<hbm>> -> memref<128xi32, #tpu.memory_space<hbm>>
        %dma_start3A_146 = tpu.memref_slice %arg4[%multiple_of3A_97] : memref<323584xi32, #tpu.memory_space<hbm>> -> memref<128xi32, #tpu.memory_space<hbm>>
        tpu.enqueue_dma source(%dma_start3A_146 : memref<128xi32, #tpu.memory_space<hbm>>) target(%arg20 : memref<128xi32, #tpu.memory_space<vmem>>) target_semaphore(%run_scoped3A : memref<!tpu.dma_semaphore, #tpu.memory_space<semaphore_mem>>)
        %dma_wait3A_147 = tpu.memref_slice %arg4[%multiple_of3A_97] : memref<323584xi32, #tpu.memory_space<hbm>> -> memref<128xi32, #tpu.memory_space<hbm>>
        %dma_wait3A_148 = tpu.memref_slice %arg4[%multiple_of3A_97] : memref<323584xi32, #tpu.memory_space<hbm>> -> memref<128xi32, #tpu.memory_space<hbm>>
        tpu.wait_dma2 semaphore(%run_scoped3A : memref<!tpu.dma_semaphore, #tpu.memory_space<semaphore_mem>>) src(%dma_wait3A_148 : memref<128xi32, #tpu.memory_space<hbm>>) dst(%arg20 : memref<128xi32, #tpu.memory_space<vmem>>)
        tpu.yield
      }) : () -> ()
      %dma_start3A_98 = arith.constant 0 : i32
      %dma_start3A_99 = arith.constant 0 : i32
      %dma_start3A_100 = tpu.memref_slice %arg2[%dma_start3A_98, %dma_start3A_99] : memref<10000x16xf32, #tpu.memory_space<hbm>> -> memref<10000x16xf32, #tpu.memory_space<hbm>>
      tpu.enqueue_indirect_dma source(%dma_start3A_100 : memref<10000x16xf32, #tpu.memory_space<hbm>>) target(%arg21 : memref<128x16xf32, #tpu.memory_space<vmem>>) offsets(%arg19 : memref<128xi32, #tpu.memory_space<vmem>>) semaphore(%arg22 : memref<!tpu.dma_semaphore, #tpu.memory_space<semaphore_mem>>)
      %mul3A_101 = arith.constant 10112 : i32
      %mul3A_102 = arith.muli %add3A, %mul3A_101 : i32
      %mul3A_103 = arith.constant 6 : i32
      %mul3A_104 = arith.muli %add3A_48, %mul3A_103 : i32
      %add3A_105 = arith.constant 4 : i32
      %add3A_106 = arith.addi %mul3A_104, %add3A_105 : i32
      %mul3A_107 = arith.constant 128 : i32
      %mul3A_108 = arith.muli %add3A_106, %mul3A_107 : i32
      %add3A_109 = arith.addi %mul3A_102, %mul3A_108 : i32
      %multiple_of3A_110 = tpu.assume_multiple %add3A_109, 8 : i32
      "tpu.region"() ({
        %run_scoped3A = tpu.sem_alloc : memref<!tpu.dma_semaphore, #tpu.memory_space<semaphore_mem>>
        %dma_start3A_145 = tpu.memref_slice %arg3[%multiple_of3A_110] : memref<323584xi32, #tpu.memory_space<hbm>> -> memref<128xi32, #tpu.memory_space<hbm>>
        %dma_start3A_146 = tpu.memref_slice %arg3[%multiple_of3A_110] : memref<323584xi32, #tpu.memory_space<hbm>> -> memref<128xi32, #tpu.memory_space<hbm>>
        tpu.enqueue_dma source(%dma_start3A_146 : memref<128xi32, #tpu.memory_space<hbm>>) target(%arg23 : memref<128xi32, #tpu.memory_space<vmem>>) target_semaphore(%run_scoped3A : memref<!tpu.dma_semaphore, #tpu.memory_space<semaphore_mem>>)
        %dma_wait3A_147 = tpu.memref_slice %arg3[%multiple_of3A_110] : memref<323584xi32, #tpu.memory_space<hbm>> -> memref<128xi32, #tpu.memory_space<hbm>>
        %dma_wait3A_148 = tpu.memref_slice %arg3[%multiple_of3A_110] : memref<323584xi32, #tpu.memory_space<hbm>> -> memref<128xi32, #tpu.memory_space<hbm>>
        tpu.wait_dma2 semaphore(%run_scoped3A : memref<!tpu.dma_semaphore, #tpu.memory_space<semaphore_mem>>) src(%dma_wait3A_148 : memref<128xi32, #tpu.memory_space<hbm>>) dst(%arg23 : memref<128xi32, #tpu.memory_space<vmem>>)
        tpu.yield
      }) : () -> ()
      "tpu.region"() ({
        %run_scoped3A = tpu.sem_alloc : memref<!tpu.dma_semaphore, #tpu.memory_space<semaphore_mem>>
        %dma_start3A_145 = tpu.memref_slice %arg4[%multiple_of3A_110] : memref<323584xi32, #tpu.memory_space<hbm>> -> memref<128xi32, #tpu.memory_space<hbm>>
        %dma_start3A_146 = tpu.memref_slice %arg4[%multiple_of3A_110] : memref<323584xi32, #tpu.memory_space<hbm>> -> memref<128xi32, #tpu.memory_space<hbm>>
        tpu.enqueue_dma source(%dma_start3A_146 : memref<128xi32, #tpu.memory_space<hbm>>) target(%arg24 : memref<128xi32, #tpu.memory_space<vmem>>) target_semaphore(%run_scoped3A : memref<!tpu.dma_semaphore, #tpu.memory_space<semaphore_mem>>)
        %dma_wait3A_147 = tpu.memref_slice %arg4[%multiple_of3A_110] : memref<323584xi32, #tpu.memory_space<hbm>> -> memref<128xi32, #tpu.memory_space<hbm>>
        %dma_wait3A_148 = tpu.memref_slice %arg4[%multiple_of3A_110] : memref<323584xi32, #tpu.memory_space<hbm>> -> memref<128xi32, #tpu.memory_space<hbm>>
        tpu.wait_dma2 semaphore(%run_scoped3A : memref<!tpu.dma_semaphore, #tpu.memory_space<semaphore_mem>>) src(%dma_wait3A_148 : memref<128xi32, #tpu.memory_space<hbm>>) dst(%arg24 : memref<128xi32, #tpu.memory_space<vmem>>)
        tpu.yield
      }) : () -> ()
      %dma_start3A_111 = arith.constant 0 : i32
      %dma_start3A_112 = arith.constant 0 : i32
      %dma_start3A_113 = tpu.memref_slice %arg2[%dma_start3A_111, %dma_start3A_112] : memref<10000x16xf32, #tpu.memory_space<hbm>> -> memref<10000x16xf32, #tpu.memory_space<hbm>>
      tpu.enqueue_indirect_dma source(%dma_start3A_113 : memref<10000x16xf32, #tpu.memory_space<hbm>>) target(%arg25 : memref<128x16xf32, #tpu.memory_space<vmem>>) offsets(%arg23 : memref<128xi32, #tpu.memory_space<vmem>>) semaphore(%arg26 : memref<!tpu.dma_semaphore, #tpu.memory_space<semaphore_mem>>)
      %mul3A_114 = arith.constant 10112 : i32
      %mul3A_115 = arith.muli %add3A, %mul3A_114 : i32
      %mul3A_116 = arith.constant 6 : i32
      %mul3A_117 = arith.muli %add3A_48, %mul3A_116 : i32
      %add3A_118 = arith.constant 5 : i32
      %add3A_119 = arith.addi %mul3A_117, %add3A_118 : i32
      %mul3A_120 = arith.constant 128 : i32
      %mul3A_121 = arith.muli %add3A_119, %mul3A_120 : i32
      %add3A_122 = arith.addi %mul3A_115, %mul3A_121 : i32
      %multiple_of3A_123 = tpu.assume_multiple %add3A_122, 8 : i32
      "tpu.region"() ({
        %run_scoped3A = tpu.sem_alloc : memref<!tpu.dma_semaphore, #tpu.memory_space<semaphore_mem>>
        %dma_start3A_145 = tpu.memref_slice %arg3[%multiple_of3A_123] : memref<323584xi32, #tpu.memory_space<hbm>> -> memref<128xi32, #tpu.memory_space<hbm>>
        %dma_start3A_146 = tpu.memref_slice %arg3[%multiple_of3A_123] : memref<323584xi32, #tpu.memory_space<hbm>> -> memref<128xi32, #tpu.memory_space<hbm>>
        tpu.enqueue_dma source(%dma_start3A_146 : memref<128xi32, #tpu.memory_space<hbm>>) target(%arg27 : memref<128xi32, #tpu.memory_space<vmem>>) target_semaphore(%run_scoped3A : memref<!tpu.dma_semaphore, #tpu.memory_space<semaphore_mem>>)
        %dma_wait3A_147 = tpu.memref_slice %arg3[%multiple_of3A_123] : memref<323584xi32, #tpu.memory_space<hbm>> -> memref<128xi32, #tpu.memory_space<hbm>>
        %dma_wait3A_148 = tpu.memref_slice %arg3[%multiple_of3A_123] : memref<323584xi32, #tpu.memory_space<hbm>> -> memref<128xi32, #tpu.memory_space<hbm>>
        tpu.wait_dma2 semaphore(%run_scoped3A : memref<!tpu.dma_semaphore, #tpu.memory_space<semaphore_mem>>) src(%dma_wait3A_148 : memref<128xi32, #tpu.memory_space<hbm>>) dst(%arg27 : memref<128xi32, #tpu.memory_space<vmem>>)
        tpu.yield
      }) : () -> ()
      "tpu.region"() ({
        %run_scoped3A = tpu.sem_alloc : memref<!tpu.dma_semaphore, #tpu.memory_space<semaphore_mem>>
        %dma_start3A_145 = tpu.memref_slice %arg4[%multiple_of3A_123] : memref<323584xi32, #tpu.memory_space<hbm>> -> memref<128xi32, #tpu.memory_space<hbm>>
        %dma_start3A_146 = tpu.memref_slice %arg4[%multiple_of3A_123] : memref<323584xi32, #tpu.memory_space<hbm>> -> memref<128xi32, #tpu.memory_space<hbm>>
        tpu.enqueue_dma source(%dma_start3A_146 : memref<128xi32, #tpu.memory_space<hbm>>) target(%arg28 : memref<128xi32, #tpu.memory_space<vmem>>) target_semaphore(%run_scoped3A : memref<!tpu.dma_semaphore, #tpu.memory_space<semaphore_mem>>)
        %dma_wait3A_147 = tpu.memref_slice %arg4[%multiple_of3A_123] : memref<323584xi32, #tpu.memory_space<hbm>> -> memref<128xi32, #tpu.memory_space<hbm>>
        %dma_wait3A_148 = tpu.memref_slice %arg4[%multiple_of3A_123] : memref<323584xi32, #tpu.memory_space<hbm>> -> memref<128xi32, #tpu.memory_space<hbm>>
        tpu.wait_dma2 semaphore(%run_scoped3A : memref<!tpu.dma_semaphore, #tpu.memory_space<semaphore_mem>>) src(%dma_wait3A_148 : memref<128xi32, #tpu.memory_space<hbm>>) dst(%arg28 : memref<128xi32, #tpu.memory_space<vmem>>)
        tpu.yield
      }) : () -> ()
      %dma_start3A_124 = arith.constant 0 : i32
      %dma_start3A_125 = arith.constant 0 : i32
      %dma_start3A_126 = tpu.memref_slice %arg2[%dma_start3A_124, %dma_start3A_125] : memref<10000x16xf32, #tpu.memory_space<hbm>> -> memref<10000x16xf32, #tpu.memory_space<hbm>>
      tpu.enqueue_indirect_dma source(%dma_start3A_126 : memref<10000x16xf32, #tpu.memory_space<hbm>>) target(%arg29 : memref<128x16xf32, #tpu.memory_space<vmem>>) offsets(%arg27 : memref<128xi32, #tpu.memory_space<vmem>>) semaphore(%arg30 : memref<!tpu.dma_semaphore, #tpu.memory_space<semaphore_mem>>)
      %dma_wait3A_127 = arith.constant 0 : i32
      %dma_wait3A_128 = arith.constant 0 : i32
      %dma_wait3A_129 = tpu.memref_slice %arg2[%dma_wait3A_127, %dma_wait3A_128] : memref<10000x16xf32, #tpu.memory_space<hbm>> -> memref<10000x16xf32, #tpu.memory_space<hbm>>
      tpu.wait_indirect_dma semaphore(%arg10 : memref<!tpu.dma_semaphore, #tpu.memory_space<semaphore_mem>>) src(%dma_wait3A_129 : memref<10000x16xf32, #tpu.memory_space<hbm>>) dst(%arg8 : memref<128x16xf32, #tpu.memory_space<vmem>>)
      "tpu.region"() ({
        %run_scoped3A = tpu.sem_alloc : memref<!tpu.dma_semaphore, #tpu.memory_space<semaphore_mem>>
        %dma_start3A_145 = arith.constant 0 : i32
        %dma_start3A_146 = arith.constant 0 : i32
        %dma_start3A_147 = tpu.memref_slice %arg9[%dma_start3A_145, %dma_start3A_146] : memref<10240x16xf32, #tpu.memory_space<vmem_shared>> -> memref<10240x16xf32, #tpu.memory_space<vmem_shared>>
        tpu.enqueue_indirect_dma source(%arg8 : memref<128x16xf32, #tpu.memory_space<vmem>>) target(%dma_start3A_147 : memref<10240x16xf32, #tpu.memory_space<vmem_shared>>) offsets(%arg7 : memref<128xi32, #tpu.memory_space<vmem>>) semaphore(%run_scoped3A : memref<!tpu.dma_semaphore, #tpu.memory_space<semaphore_mem>>) {add = true}
        %dma_wait3A_148 = arith.constant 0 : i32
        %dma_wait3A_149 = arith.constant 0 : i32
        %dma_wait3A_150 = tpu.memref_slice %arg9[%dma_wait3A_148, %dma_wait3A_149] : memref<10240x16xf32, #tpu.memory_space<vmem_shared>> -> memref<10240x16xf32, #tpu.memory_space<vmem_shared>>
        tpu.wait_indirect_dma semaphore(%run_scoped3A : memref<!tpu.dma_semaphore, #tpu.memory_space<semaphore_mem>>) src(%arg8 : memref<128x16xf32, #tpu.memory_space<vmem>>) dst(%dma_wait3A_150 : memref<10240x16xf32, #tpu.memory_space<vmem_shared>>)
        tpu.yield
      }) : () -> ()
      %dma_wait3A_130 = arith.constant 0 : i32
      %dma_wait3A_131 = arith.constant 0 : i32
      %dma_wait3A_132 = tpu.memref_slice %arg2[%dma_wait3A_130, %dma_wait3A_131] : memref<10000x16xf32, #tpu.memory_space<hbm>> -> memref<10000x16xf32, #tpu.memory_space<hbm>>
      tpu.wait_indirect_dma semaphore(%arg14 : memref<!tpu.dma_semaphore, #tpu.memory_space<semaphore_mem>>) src(%dma_wait3A_132 : memref<10000x16xf32, #tpu.memory_space<hbm>>) dst(%arg13 : memref<128x16xf32, #tpu.memory_space<vmem>>)
      "tpu.region"() ({
        %run_scoped3A = tpu.sem_alloc : memref<!tpu.dma_semaphore, #tpu.memory_space<semaphore_mem>>
        %dma_start3A_145 = arith.constant 0 : i32
        %dma_start3A_146 = arith.constant 0 : i32
        %dma_start3A_147 = tpu.memref_slice %arg9[%dma_start3A_145, %dma_start3A_146] : memref<10240x16xf32, #tpu.memory_space<vmem_shared>> -> memref<10240x16xf32, #tpu.memory_space<vmem_shared>>
        tpu.enqueue_indirect_dma source(%arg13 : memref<128x16xf32, #tpu.memory_space<vmem>>) target(%dma_start3A_147 : memref<10240x16xf32, #tpu.memory_space<vmem_shared>>) offsets(%arg12 : memref<128xi32, #tpu.memory_space<vmem>>) semaphore(%run_scoped3A : memref<!tpu.dma_semaphore, #tpu.memory_space<semaphore_mem>>) {add = true}
        %dma_wait3A_148 = arith.constant 0 : i32
        %dma_wait3A_149 = arith.constant 0 : i32
        %dma_wait3A_150 = tpu.memref_slice %arg9[%dma_wait3A_148, %dma_wait3A_149] : memref<10240x16xf32, #tpu.memory_space<vmem_shared>> -> memref<10240x16xf32, #tpu.memory_space<vmem_shared>>
        tpu.wait_indirect_dma semaphore(%run_scoped3A : memref<!tpu.dma_semaphore, #tpu.memory_space<semaphore_mem>>) src(%arg13 : memref<128x16xf32, #tpu.memory_space<vmem>>) dst(%dma_wait3A_150 : memref<10240x16xf32, #tpu.memory_space<vmem_shared>>)
        tpu.yield
      }) : () -> ()
      %dma_wait3A_133 = arith.constant 0 : i32
      %dma_wait3A_134 = arith.constant 0 : i32
      %dma_wait3A_135 = tpu.memref_slice %arg2[%dma_wait3A_133, %dma_wait3A_134] : memref<10000x16xf32, #tpu.memory_space<hbm>> -> memref<10000x16xf32, #tpu.memory_space<hbm>>
      tpu.wait_indirect_dma semaphore(%arg18 : memref<!tpu.dma_semaphore, #tpu.memory_space<semaphore_mem>>) src(%dma_wait3A_135 : memref<10000x16xf32, #tpu.memory_space<hbm>>) dst(%arg17 : memref<128x16xf32, #tpu.memory_space<vmem>>)
      "tpu.region"() ({
        %run_scoped3A = tpu.sem_alloc : memref<!tpu.dma_semaphore, #tpu.memory_space<semaphore_mem>>
        %dma_start3A_145 = arith.constant 0 : i32
        %dma_start3A_146 = arith.constant 0 : i32
        %dma_start3A_147 = tpu.memref_slice %arg9[%dma_start3A_145, %dma_start3A_146] : memref<10240x16xf32, #tpu.memory_space<vmem_shared>> -> memref<10240x16xf32, #tpu.memory_space<vmem_shared>>
        tpu.enqueue_indirect_dma source(%arg17 : memref<128x16xf32, #tpu.memory_space<vmem>>) target(%dma_start3A_147 : memref<10240x16xf32, #tpu.memory_space<vmem_shared>>) offsets(%arg16 : memref<128xi32, #tpu.memory_space<vmem>>) semaphore(%run_scoped3A : memref<!tpu.dma_semaphore, #tpu.memory_space<semaphore_mem>>) {add = true}
        %dma_wait3A_148 = arith.constant 0 : i32
        %dma_wait3A_149 = arith.constant 0 : i32
        %dma_wait3A_150 = tpu.memref_slice %arg9[%dma_wait3A_148, %dma_wait3A_149] : memref<10240x16xf32, #tpu.memory_space<vmem_shared>> -> memref<10240x16xf32, #tpu.memory_space<vmem_shared>>
        tpu.wait_indirect_dma semaphore(%run_scoped3A : memref<!tpu.dma_semaphore, #tpu.memory_space<semaphore_mem>>) src(%arg17 : memref<128x16xf32, #tpu.memory_space<vmem>>) dst(%dma_wait3A_150 : memref<10240x16xf32, #tpu.memory_space<vmem_shared>>)
        tpu.yield
      }) : () -> ()
      %dma_wait3A_136 = arith.constant 0 : i32
      %dma_wait3A_137 = arith.constant 0 : i32
      %dma_wait3A_138 = tpu.memref_slice %arg2[%dma_wait3A_136, %dma_wait3A_137] : memref<10000x16xf32, #tpu.memory_space<hbm>> -> memref<10000x16xf32, #tpu.memory_space<hbm>>
      tpu.wait_indirect_dma semaphore(%arg22 : memref<!tpu.dma_semaphore, #tpu.memory_space<semaphore_mem>>) src(%dma_wait3A_138 : memref<10000x16xf32, #tpu.memory_space<hbm>>) dst(%arg21 : memref<128x16xf32, #tpu.memory_space<vmem>>)
      "tpu.region"() ({
        %run_scoped3A = tpu.sem_alloc : memref<!tpu.dma_semaphore, #tpu.memory_space<semaphore_mem>>
        %dma_start3A_145 = arith.constant 0 : i32
        %dma_start3A_146 = arith.constant 0 : i32
        %dma_start3A_147 = tpu.memref_slice %arg9[%dma_start3A_145, %dma_start3A_146] : memref<10240x16xf32, #tpu.memory_space<vmem_shared>> -> memref<10240x16xf32, #tpu.memory_space<vmem_shared>>
        tpu.enqueue_indirect_dma source(%arg21 : memref<128x16xf32, #tpu.memory_space<vmem>>) target(%dma_start3A_147 : memref<10240x16xf32, #tpu.memory_space<vmem_shared>>) offsets(%arg20 : memref<128xi32, #tpu.memory_space<vmem>>) semaphore(%run_scoped3A : memref<!tpu.dma_semaphore, #tpu.memory_space<semaphore_mem>>) {add = true}
        %dma_wait3A_148 = arith.constant 0 : i32
        %dma_wait3A_149 = arith.constant 0 : i32
        %dma_wait3A_150 = tpu.memref_slice %arg9[%dma_wait3A_148, %dma_wait3A_149] : memref<10240x16xf32, #tpu.memory_space<vmem_shared>> -> memref<10240x16xf32, #tpu.memory_space<vmem_shared>>
        tpu.wait_indirect_dma semaphore(%run_scoped3A : memref<!tpu.dma_semaphore, #tpu.memory_space<semaphore_mem>>) src(%arg21 : memref<128x16xf32, #tpu.memory_space<vmem>>) dst(%dma_wait3A_150 : memref<10240x16xf32, #tpu.memory_space<vmem_shared>>)
        tpu.yield
      }) : () -> ()
      %dma_wait3A_139 = arith.constant 0 : i32
      %dma_wait3A_140 = arith.constant 0 : i32
      %dma_wait3A_141 = tpu.memref_slice %arg2[%dma_wait3A_139, %dma_wait3A_140] : memref<10000x16xf32, #tpu.memory_space<hbm>> -> memref<10000x16xf32, #tpu.memory_space<hbm>>
      tpu.wait_indirect_dma semaphore(%arg26 : memref<!tpu.dma_semaphore, #tpu.memory_space<semaphore_mem>>) src(%dma_wait3A_141 : memref<10000x16xf32, #tpu.memory_space<hbm>>) dst(%arg25 : memref<128x16xf32, #tpu.memory_space<vmem>>)
      "tpu.region"() ({
        %run_scoped3A = tpu.sem_alloc : memref<!tpu.dma_semaphore, #tpu.memory_space<semaphore_mem>>
        %dma_start3A_145 = arith.constant 0 : i32
        %dma_start3A_146 = arith.constant 0 : i32
        %dma_start3A_147 = tpu.memref_slice %arg9[%dma_start3A_145, %dma_start3A_146] : memref<10240x16xf32, #tpu.memory_space<vmem_shared>> -> memref<10240x16xf32, #tpu.memory_space<vmem_shared>>
        tpu.enqueue_indirect_dma source(%arg25 : memref<128x16xf32, #tpu.memory_space<vmem>>) target(%dma_start3A_147 : memref<10240x16xf32, #tpu.memory_space<vmem_shared>>) offsets(%arg24 : memref<128xi32, #tpu.memory_space<vmem>>) semaphore(%run_scoped3A : memref<!tpu.dma_semaphore, #tpu.memory_space<semaphore_mem>>) {add = true}
        %dma_wait3A_148 = arith.constant 0 : i32
        %dma_wait3A_149 = arith.constant 0 : i32
        %dma_wait3A_150 = tpu.memref_slice %arg9[%dma_wait3A_148, %dma_wait3A_149] : memref<10240x16xf32, #tpu.memory_space<vmem_shared>> -> memref<10240x16xf32, #tpu.memory_space<vmem_shared>>
        tpu.wait_indirect_dma semaphore(%run_scoped3A : memref<!tpu.dma_semaphore, #tpu.memory_space<semaphore_mem>>) src(%arg25 : memref<128x16xf32, #tpu.memory_space<vmem>>) dst(%dma_wait3A_150 : memref<10240x16xf32, #tpu.memory_space<vmem_shared>>)
        tpu.yield
      }) : () -> ()
      %dma_wait3A_142 = arith.constant 0 : i32
      %dma_wait3A_143 = arith.constant 0 : i32
      %dma_wait3A_144 = tpu.memref_slice %arg2[%dma_wait3A_142, %dma_wait3A_143] : memref<10000x16xf32, #tpu.memory_space<hbm>> -> memref<10000x16xf32, #tpu.memory_space<hbm>>
      tpu.wait_indirect_dma semaphore(%arg30 : memref<!tpu.dma_semaphore, #tpu.memory_space<semaphore_mem>>) src(%dma_wait3A_144 : memref<10000x16xf32, #tpu.memory_space<hbm>>) dst(%arg29 : memref<128x16xf32, #tpu.memory_space<vmem>>)
      "tpu.region"() ({
        %run_scoped3A = tpu.sem_alloc : memref<!tpu.dma_semaphore, #tpu.memory_space<semaphore_mem>>
        %dma_start3A_145 = arith.constant 0 : i32
        %dma_start3A_146 = arith.constant 0 : i32
        %dma_start3A_147 = tpu.memref_slice %arg9[%dma_start3A_145, %dma_start3A_146] : memref<10240x16xf32, #tpu.memory_space<vmem_shared>> -> memref<10240x16xf32, #tpu.memory_space<vmem_shared>>
        tpu.enqueue_indirect_dma source(%arg29 : memref<128x16xf32, #tpu.memory_space<vmem>>) target(%dma_start3A_147 : memref<10240x16xf32, #tpu.memory_space<vmem_shared>>) offsets(%arg28 : memref<128xi32, #tpu.memory_space<vmem>>) semaphore(%run_scoped3A : memref<!tpu.dma_semaphore, #tpu.memory_space<semaphore_mem>>) {add = true}
        %dma_wait3A_148 = arith.constant 0 : i32
        %dma_wait3A_149 = arith.constant 0 : i32
        %dma_wait3A_150 = tpu.memref_slice %arg9[%dma_wait3A_148, %dma_wait3A_149] : memref<10240x16xf32, #tpu.memory_space<vmem_shared>> -> memref<10240x16xf32, #tpu.memory_space<vmem_shared>>
        tpu.wait_indirect_dma semaphore(%run_scoped3A : memref<!tpu.dma_semaphore, #tpu.memory_space<semaphore_mem>>) src(%arg29 : memref<128x16xf32, #tpu.memory_space<vmem>>) dst(%dma_wait3A_150 : memref<10240x16xf32, #tpu.memory_space<vmem_shared>>)
        tpu.yield
      }) : () -> ()
    }
    %scan3A_30 = arith.constant 13 : i32
    %mul3A_31 = arith.constant 10112 : i32
    %mul3A_32 = arith.muli %add3A, %mul3A_31 : i32
    %add3A_33 = arith.constant 9984 : i32
    %add3A_34 = arith.addi %mul3A_32, %add3A_33 : i32
    %multiple_of3A = tpu.assume_multiple %add3A_34, 8 : i32
    "tpu.region"() ({
      %run_scoped3A = tpu.sem_alloc : memref<!tpu.dma_semaphore, #tpu.memory_space<semaphore_mem>>
      %dma_start3A_44 = tpu.memref_slice %arg3[%multiple_of3A] : memref<323584xi32, #tpu.memory_space<hbm>> -> memref<128xi32, #tpu.memory_space<hbm>>
      %dma_start3A_45 = tpu.memref_slice %arg3[%multiple_of3A] : memref<323584xi32, #tpu.memory_space<hbm>> -> memref<128xi32, #tpu.memory_space<hbm>>
      tpu.enqueue_dma source(%dma_start3A_45 : memref<128xi32, #tpu.memory_space<hbm>>) target(%arg6 : memref<128xi32, #tpu.memory_space<vmem>>) target_semaphore(%run_scoped3A : memref<!tpu.dma_semaphore, #tpu.memory_space<semaphore_mem>>)
      %dma_wait3A_46 = tpu.memref_slice %arg3[%multiple_of3A] : memref<323584xi32, #tpu.memory_space<hbm>> -> memref<128xi32, #tpu.memory_space<hbm>>
      %dma_wait3A_47 = tpu.memref_slice %arg3[%multiple_of3A] : memref<323584xi32, #tpu.memory_space<hbm>> -> memref<128xi32, #tpu.memory_space<hbm>>
      tpu.wait_dma2 semaphore(%run_scoped3A : memref<!tpu.dma_semaphore, #tpu.memory_space<semaphore_mem>>) src(%dma_wait3A_47 : memref<128xi32, #tpu.memory_space<hbm>>) dst(%arg6 : memref<128xi32, #tpu.memory_space<vmem>>)
      tpu.yield
    }) : () -> ()
    "tpu.region"() ({
      %run_scoped3A = tpu.sem_alloc : memref<!tpu.dma_semaphore, #tpu.memory_space<semaphore_mem>>
      %dma_start3A_44 = tpu.memref_slice %arg4[%multiple_of3A] : memref<323584xi32, #tpu.memory_space<hbm>> -> memref<128xi32, #tpu.memory_space<hbm>>
      %dma_start3A_45 = tpu.memref_slice %arg4[%multiple_of3A] : memref<323584xi32, #tpu.memory_space<hbm>> -> memref<128xi32, #tpu.memory_space<hbm>>
      tpu.enqueue_dma source(%dma_start3A_45 : memref<128xi32, #tpu.memory_space<hbm>>) target(%arg7 : memref<128xi32, #tpu.memory_space<vmem>>) target_semaphore(%run_scoped3A : memref<!tpu.dma_semaphore, #tpu.memory_space<semaphore_mem>>)
      %dma_wait3A_46 = tpu.memref_slice %arg4[%multiple_of3A] : memref<323584xi32, #tpu.memory_space<hbm>> -> memref<128xi32, #tpu.memory_space<hbm>>
      %dma_wait3A_47 = tpu.memref_slice %arg4[%multiple_of3A] : memref<323584xi32, #tpu.memory_space<hbm>> -> memref<128xi32, #tpu.memory_space<hbm>>
      tpu.wait_dma2 semaphore(%run_scoped3A : memref<!tpu.dma_semaphore, #tpu.memory_space<semaphore_mem>>) src(%dma_wait3A_47 : memref<128xi32, #tpu.memory_space<hbm>>) dst(%arg7 : memref<128xi32, #tpu.memory_space<vmem>>)
      tpu.yield
    }) : () -> ()
    %dma_start3A = arith.constant 0 : i32
    %dma_start3A_35 = arith.constant 0 : i32
    %dma_start3A_36 = tpu.memref_slice %arg2[%dma_start3A, %dma_start3A_35] : memref<10000x16xf32, #tpu.memory_space<hbm>> -> memref<10000x16xf32, #tpu.memory_space<hbm>>
    tpu.enqueue_indirect_dma source(%dma_start3A_36 : memref<10000x16xf32, #tpu.memory_space<hbm>>) target(%arg8 : memref<128x16xf32, #tpu.memory_space<vmem>>) offsets(%arg6 : memref<128xi32, #tpu.memory_space<vmem>>) semaphore(%arg10 : memref<!tpu.dma_semaphore, #tpu.memory_space<semaphore_mem>>)
    %dma_wait3A = arith.constant 0 : i32
    %dma_wait3A_37 = arith.constant 0 : i32
    %dma_wait3A_38 = tpu.memref_slice %arg2[%dma_wait3A, %dma_wait3A_37] : memref<10000x16xf32, #tpu.memory_space<hbm>> -> memref<10000x16xf32, #tpu.memory_space<hbm>>
    tpu.wait_indirect_dma semaphore(%arg10 : memref<!tpu.dma_semaphore, #tpu.memory_space<semaphore_mem>>) src(%dma_wait3A_38 : memref<10000x16xf32, #tpu.memory_space<hbm>>) dst(%arg8 : memref<128x16xf32, #tpu.memory_space<vmem>>)
    "tpu.region"() ({
      %run_scoped3A = tpu.sem_alloc : memref<!tpu.dma_semaphore, #tpu.memory_space<semaphore_mem>>
      %dma_start3A_44 = arith.constant 0 : i32
      %dma_start3A_45 = arith.constant 0 : i32
      %dma_start3A_46 = tpu.memref_slice %arg9[%dma_start3A_44, %dma_start3A_45] : memref<10240x16xf32, #tpu.memory_space<vmem_shared>> -> memref<10240x16xf32, #tpu.memory_space<vmem_shared>>
      tpu.enqueue_indirect_dma source(%arg8 : memref<128x16xf32, #tpu.memory_space<vmem>>) target(%dma_start3A_46 : memref<10240x16xf32, #tpu.memory_space<vmem_shared>>) offsets(%arg7 : memref<128xi32, #tpu.memory_space<vmem>>) semaphore(%run_scoped3A : memref<!tpu.dma_semaphore, #tpu.memory_space<semaphore_mem>>) {add = true}
      %dma_wait3A_47 = arith.constant 0 : i32
      %dma_wait3A_48 = arith.constant 0 : i32
      %dma_wait3A_49 = tpu.memref_slice %arg9[%dma_wait3A_47, %dma_wait3A_48] : memref<10240x16xf32, #tpu.memory_space<vmem_shared>> -> memref<10240x16xf32, #tpu.memory_space<vmem_shared>>
      tpu.wait_indirect_dma semaphore(%run_scoped3A : memref<!tpu.dma_semaphore, #tpu.memory_space<semaphore_mem>>) src(%arg8 : memref<128x16xf32, #tpu.memory_space<vmem>>) dst(%dma_wait3A_49 : memref<10240x16xf32, #tpu.memory_space<vmem_shared>>)
      tpu.yield
    }) : () -> ()
    %barrier3A_39 = arith.constant 0 : index
    tpu.barrier barrier_id(%barrier3A_39)
    %mul3A_40 = arith.constant 640 : i32
    %mul3A_41 = arith.muli %arg1, %mul3A_40 : i32
    %mul3A_42 = arith.constant 640 : i32
    %mul3A_43 = arith.muli %arg1, %mul3A_42 : i32
    "tpu.region"() ({
      %run_scoped3A = tpu.sem_alloc : memref<!tpu.dma_semaphore, #tpu.memory_space<semaphore_mem>>
      %dma_start3A_44 = arith.constant 0 : i32
      %dma_start3A_45 = tpu.memref_slice %arg5[%arg0, %mul3A_43, %dma_start3A_44] : memref<2x10240x16xf32, #tpu.memory_space<hbm>> -> memref<1x640x16xf32, #tpu.memory_space<hbm>>
      %dma_start3A_46 = tpu.memref_squeeze %dma_start3A_45 : memref<1x640x16xf32, #tpu.memory_space<hbm>> -> memref<640x16xf32, #tpu.memory_space<hbm>>
      %dma_start3A_47 = arith.constant 0 : i32
      %dma_start3A_48 = tpu.memref_slice %arg9[%mul3A_41, %dma_start3A_47] : memref<10240x16xf32, #tpu.memory_space<vmem_shared>> -> memref<640x16xf32, #tpu.memory_space<vmem_shared>>
      tpu.enqueue_dma source(%dma_start3A_48 : memref<640x16xf32, #tpu.memory_space<vmem_shared>>) target(%dma_start3A_46 : memref<640x16xf32, #tpu.memory_space<hbm>>) target_semaphore(%run_scoped3A : memref<!tpu.dma_semaphore, #tpu.memory_space<semaphore_mem>>)
      %dma_wait3A_49 = arith.constant 0 : i32
      %dma_wait3A_50 = tpu.memref_slice %arg5[%arg0, %mul3A_43, %dma_wait3A_49] : memref<2x10240x16xf32, #tpu.memory_space<hbm>> -> memref<1x640x16xf32, #tpu.memory_space<hbm>>
      %dma_wait3A_51 = tpu.memref_squeeze %dma_wait3A_50 : memref<1x640x16xf32, #tpu.memory_space<hbm>> -> memref<640x16xf32, #tpu.memory_space<hbm>>
      %dma_wait3A_52 = arith.constant 0 : i32
      %dma_wait3A_53 = tpu.memref_slice %arg9[%mul3A_41, %dma_wait3A_52] : memref<10240x16xf32, #tpu.memory_space<vmem_shared>> -> memref<640x16xf32, #tpu.memory_space<vmem_shared>>
      tpu.wait_dma2 semaphore(%run_scoped3A : memref<!tpu.dma_semaphore, #tpu.memory_space<semaphore_mem>>) src(%dma_wait3A_53 : memref<640x16xf32, #tpu.memory_space<vmem_shared>>) dst(%dma_wait3A_51 : memref<640x16xf32, #tpu.memory_space<hbm>>)
      tpu.yield
    }) : () -> ()
    return
  }
}

module attributes {stable_mosaic.version = 14 : i64} {
  func.func @_tc_mid_body(%arg0: i32, %arg1: memref<2x2000x144xf32, #tpu.memory_space<vmem>>, %arg2: memref<2000x128xf32, #tpu.memory_space<vmem>>, %arg3: memref<128x128xf32, #tpu.memory_space<vmem>>, %arg4: memref<1x128xf32, #tpu.memory_space<vmem>>, %arg5: memref<128x128xf32, #tpu.memory_space<vmem>>, %arg6: memref<128x128xf32, #tpu.memory_space<vmem>>, %arg7: memref<1x128xf32, #tpu.memory_space<vmem>>, %arg8: memref<128x128xf32, #tpu.memory_space<vmem>>, %arg9: memref<128x2xf32, #tpu.memory_space<vmem>>, %arg10: memref<1x2xf32, #tpu.memory_space<vmem>>, %arg11: memref<2000x16xf32, #tpu.memory_space<vmem>>) attributes {dimension_semantics = [#tpu.dimension_semantics<arbitrary>], iteration_bounds = array<i64: 5>, scalar_prefetch = 0 : i64, scratch_operands = 0 : i64, tpu.core_type = #tpu.core_type<tc>, window_params = [{transform_indices = @transform_0, window_bounds = array<i64: 2, 2000, 144>}, {transform_indices = @transform_1, window_bounds = array<i64: 2000, 128>}, {pipeline_mode = #tpu.pipeline_mode<synchronous>, transform_indices = @transform_2, window_bounds = array<i64: 128, 128>}, {pipeline_mode = #tpu.pipeline_mode<synchronous>, transform_indices = @transform_3, window_bounds = array<i64: 1, 128>}, {pipeline_mode = #tpu.pipeline_mode<synchronous>, transform_indices = @transform_4, window_bounds = array<i64: 128, 128>}, {pipeline_mode = #tpu.pipeline_mode<synchronous>, transform_indices = @transform_5, window_bounds = array<i64: 128, 128>}, {pipeline_mode = #tpu.pipeline_mode<synchronous>, transform_indices = @transform_6, window_bounds = array<i64: 1, 128>}, {pipeline_mode = #tpu.pipeline_mode<synchronous>, transform_indices = @transform_7, window_bounds = array<i64: 128, 128>}, {pipeline_mode = #tpu.pipeline_mode<synchronous>, transform_indices = @transform_8, window_bounds = array<i64: 128, 2>}, {pipeline_mode = #tpu.pipeline_mode<synchronous>, transform_indices = @transform_9, window_bounds = array<i64: 1, 2>}, {transform_indices = @transform_10, window_bounds = array<i64: 2000, 16>}]} {
    %get3A = arith.constant 0 : index
    %get3A_0 = arith.constant 0 : index
    %get3A_1 = arith.constant 0 : index
    %get3A_2 = vector.load %arg1[%get3A, %get3A_0, %get3A_1] : memref<2x2000x144xf32, #tpu.memory_space<vmem>>, vector<1x2000x144xf32>
    %get3A_3 = vector.shape_cast %get3A_2 : vector<1x2000x144xf32> to vector<2000x144xf32>
    %get3A_4 = arith.constant 1 : index
    %get3A_5 = arith.constant 0 : index
    %get3A_6 = arith.constant 0 : index
    %get3A_7 = vector.load %arg1[%get3A_4, %get3A_5, %get3A_6] : memref<2x2000x144xf32, #tpu.memory_space<vmem>>, vector<1x2000x144xf32>
    %get3A_8 = vector.shape_cast %get3A_7 : vector<1x2000x144xf32> to vector<2000x144xf32>
    %add3A = arith.addf %get3A_3, %get3A_8 : vector<2000x144xf32>
    %slice3A = vector.extract_strided_slice %add3A {offsets = [0, 128], sizes = [2000, 1], strides = [1, 1]} : vector<2000x144xf32> to vector<2000x1xf32>
    %squeeze3A = vector.shape_cast %slice3A : vector<2000x1xf32> to vector<2000xf32>
    %max3A = arith.constant 1.000000e+00 : f32
    %max3A_9 = vector.broadcast %max3A : f32 to vector<2000xf32>
    %max3A_10 = arith.maximumf %squeeze3A, %max3A_9 : vector<2000xf32>
    %div3A = arith.constant 1.000000e+00 : f32
    %div3A_11 = vector.broadcast %div3A : f32 to vector<2000xf32>
    %div3A_12 = arith.divf %div3A_11, %max3A_10 : vector<2000xf32>
    %slice3A_13 = vector.extract_strided_slice %add3A {offsets = [0, 0], sizes = [2000, 128], strides = [1, 1]} : vector<2000x144xf32> to vector<2000x128xf32>
    %broadcast_in_dim3A = vector.shape_cast %div3A_12 : vector<2000xf32> to vector<2000x1xf32>
    %mul3A = vector.broadcast %broadcast_in_dim3A : vector<2000x1xf32> to vector<2000x128xf32>
    %mul3A_14 = arith.mulf %slice3A_13, %mul3A : vector<2000x128xf32>
    %get3A_15 = arith.constant 0 : index
    %get3A_16 = arith.constant 0 : index
    %get3A_17 = vector.load %arg3[%get3A_15, %get3A_16] : memref<128x128xf32, #tpu.memory_space<vmem>>, vector<128x128xf32>
    %dot_general3A = arith.constant dense<0.000000e+00> : vector<2000x128xf32>
    %dot_general3A_18 = tpu.matmul %mul3A_14, %get3A_17, %dot_general3A {dimension_numbers = #tpu.dot_dimension_numbers<[1], [0], [0], [1], [0, 0, 1, 1], [], []>, transpose_lhs_hint = false} : vector<2000x128xf32>, vector<128x128xf32>, vector<2000x128xf32> -> vector<2000x128xf32>
    %get3A_19 = arith.constant 0 : index
    %get3A_20 = arith.constant 0 : index
    %get3A_21 = vector.load %arg2[%get3A_19, %get3A_20] : memref<2000x128xf32, #tpu.memory_space<vmem>>, vector<2000x128xf32>
    %get3A_22 = arith.constant 0 : index
    %get3A_23 = arith.constant 0 : index
    %get3A_24 = vector.load %arg5[%get3A_22, %get3A_23] : memref<128x128xf32, #tpu.memory_space<vmem>>, vector<128x128xf32>
    %dot_general3A_25 = arith.constant dense<0.000000e+00> : vector<2000x128xf32>
    %dot_general3A_26 = tpu.matmul %get3A_21, %get3A_24, %dot_general3A_25 {dimension_numbers = #tpu.dot_dimension_numbers<[1], [0], [0], [1], [0, 0, 1, 1], [], []>, transpose_lhs_hint = false} : vector<2000x128xf32>, vector<128x128xf32>, vector<2000x128xf32> -> vector<2000x128xf32>
    %add3A_27 = arith.addf %dot_general3A_18, %dot_general3A_26 : vector<2000x128xf32>
    %get3A_28 = arith.constant 0 : index
    %get3A_29 = arith.constant 0 : index
    %get3A_30 = vector.load %arg4[%get3A_28, %get3A_29] : memref<1x128xf32, #tpu.memory_space<vmem>>, vector<1x128xf32>
    %add3A_31 = vector.broadcast %get3A_30 : vector<1x128xf32> to vector<2000x128xf32>
    %add3A_32 = arith.addf %add3A_27, %add3A_31 : vector<2000x128xf32>
    %max3A_33 = arith.constant 0.000000e+00 : f32
    %max3A_34 = vector.broadcast %max3A_33 : f32 to vector<2000x128xf32>
    %max3A_35 = arith.maximumf %add3A_32, %max3A_34 : vector<2000x128xf32>
    %get3A_36 = arith.constant 0 : index
    %get3A_37 = arith.constant 0 : index
    %get3A_38 = vector.load %arg6[%get3A_36, %get3A_37] : memref<128x128xf32, #tpu.memory_space<vmem>>, vector<128x128xf32>
    %get3A_39 = arith.constant 0 : index
    %get3A_40 = arith.constant 0 : index
    %get3A_41 = vector.load %arg9[%get3A_39, %get3A_40] : memref<128x2xf32, #tpu.memory_space<vmem>>, vector<128x2xf32>
    %dot_general3A_42 = arith.constant dense<0.000000e+00> : vector<128x2xf32>
    %dot_general3A_43 = tpu.matmul %get3A_38, %get3A_41, %dot_general3A_42 {dimension_numbers = #tpu.dot_dimension_numbers<[1], [0], [0], [1], [0, 0, 1, 1], [], []>, transpose_lhs_hint = false} : vector<128x128xf32>, vector<128x2xf32>, vector<128x2xf32> -> vector<128x2xf32>
    %get3A_44 = arith.constant 0 : index
    %get3A_45 = arith.constant 0 : index
    %get3A_46 = vector.load %arg8[%get3A_44, %get3A_45] : memref<128x128xf32, #tpu.memory_space<vmem>>, vector<128x128xf32>
    %get3A_47 = arith.constant 0 : index
    %get3A_48 = arith.constant 0 : index
    %get3A_49 = vector.load %arg9[%get3A_47, %get3A_48] : memref<128x2xf32, #tpu.memory_space<vmem>>, vector<128x2xf32>
    %dot_general3A_50 = arith.constant dense<0.000000e+00> : vector<128x2xf32>
    %dot_general3A_51 = tpu.matmul %get3A_46, %get3A_49, %dot_general3A_50 {dimension_numbers = #tpu.dot_dimension_numbers<[1], [0], [0], [1], [0, 0, 1, 1], [], []>, transpose_lhs_hint = false} : vector<128x128xf32>, vector<128x2xf32>, vector<128x2xf32> -> vector<128x2xf32>
    %dot_general3A_52 = arith.constant dense<0.000000e+00> : vector<2000x2xf32>
    %dot_general3A_53 = tpu.matmul %max3A_35, %dot_general3A_43, %dot_general3A_52 {dimension_numbers = #tpu.dot_dimension_numbers<[1], [0], [0], [1], [0, 0, 1, 1], [], []>, transpose_lhs_hint = false} : vector<2000x128xf32>, vector<128x2xf32>, vector<2000x2xf32> -> vector<2000x2xf32>
    %dot_general3A_54 = arith.constant dense<0.000000e+00> : vector<2000x2xf32>
    %dot_general3A_55 = tpu.matmul %max3A_35, %dot_general3A_51, %dot_general3A_54 {dimension_numbers = #tpu.dot_dimension_numbers<[1], [0], [0], [1], [0, 0, 1, 1], [], []>, transpose_lhs_hint = false} : vector<2000x128xf32>, vector<128x2xf32>, vector<2000x2xf32> -> vector<2000x2xf32>
    %get3A_56 = arith.constant 0 : index
    %get3A_57 = arith.constant 0 : index
    %get3A_58 = vector.load %arg7[%get3A_56, %get3A_57] : memref<1x128xf32, #tpu.memory_space<vmem>>, vector<1x128xf32>
    %get3A_59 = arith.constant 0 : index
    %get3A_60 = arith.constant 0 : index
    %get3A_61 = vector.load %arg9[%get3A_59, %get3A_60] : memref<128x2xf32, #tpu.memory_space<vmem>>, vector<128x2xf32>
    %dot_general3A_62 = arith.constant dense<0.000000e+00> : vector<1x2xf32>
    %dot_general3A_63 = tpu.matmul %get3A_58, %get3A_61, %dot_general3A_62 {dimension_numbers = #tpu.dot_dimension_numbers<[1], [0], [0], [1], [0, 0, 1, 1], [], []>, transpose_lhs_hint = false} : vector<1x128xf32>, vector<128x2xf32>, vector<1x2xf32> -> vector<1x2xf32>
    %add3A_64 = vector.broadcast %dot_general3A_63 : vector<1x2xf32> to vector<2000x2xf32>
    %add3A_65 = arith.addf %dot_general3A_55, %add3A_64 : vector<2000x2xf32>
    %get3A_66 = arith.constant 0 : index
    %get3A_67 = arith.constant 0 : index
    %get3A_68 = vector.load %arg10[%get3A_66, %get3A_67] : memref<1x2xf32, #tpu.memory_space<vmem>>, vector<1x2xf32>
    %add3A_69 = vector.broadcast %get3A_68 : vector<1x2xf32> to vector<2000x2xf32>
    %add3A_70 = arith.addf %add3A_65, %add3A_69 : vector<2000x2xf32>
    %broadcast_in_dim3A_71 = vector.shape_cast %div3A_12 : vector<2000xf32> to vector<2000x1xf32>
    %broadcast_in_dim3A_72 = arith.constant 0.000000e+00 : f32
    %broadcast_in_dim3A_73 = vector.broadcast %broadcast_in_dim3A_72 : f32 to vector<2000x11xf32>
    %concatenate3A = tpu.concatenate %dot_general3A_53, %add3A_70, %broadcast_in_dim3A_71, %broadcast_in_dim3A_73 in 1 : vector<2000x2xf32>, vector<2000x2xf32>, vector<2000x1xf32>, vector<2000x11xf32> -> vector<2000x16xf32>
    %swap3A = arith.constant 0 : index
    %swap3A_74 = arith.constant 0 : index
    %swap3A_75 = vector.load %arg11[%swap3A, %swap3A_74] : memref<2000x16xf32, #tpu.memory_space<vmem>>, vector<2000x16xf32>
    tpu.vector_store %arg11[%swap3A, %swap3A_74], %concatenate3A {strides = array<i32>} : memref<2000x16xf32, #tpu.memory_space<vmem>>, vector<2000x16xf32>,
    return
  }
  func.func @transform_0(%arg0: i32) -> (i32, i32, i32) {
    %c0_i32 = arith.constant 0 : i32
    %c0_i32_0 = arith.constant 0 : i32
    %c0_i32_1 = arith.constant 0 : i32
    return %c0_i32, %arg0, %c0_i32_0 : i32, i32, i32
  }
  func.func @transform_1(%arg0: i32) -> (i32, i32) {
    %c0_i32 = arith.constant 0 : i32
    %c0_i32_0 = arith.constant 0 : i32
    return %arg0, %c0_i32 : i32, i32
  }
  func.func @transform_2(%arg0: i32) -> (i32, i32) {
    %c0_i32 = arith.constant 0 : i32
    %c0_i32_0 = arith.constant 0 : i32
    %c0_i32_1 = arith.constant 0 : i32
    return %c0_i32, %c0_i32_0 : i32, i32
  }
  func.func @transform_3(%arg0: i32) -> (i32, i32) {
    %c0_i32 = arith.constant 0 : i32
    %c0_i32_0 = arith.constant 0 : i32
    %c0_i32_1 = arith.constant 0 : i32
    return %c0_i32, %c0_i32_0 : i32, i32
  }
  func.func @transform_4(%arg0: i32) -> (i32, i32) {
    %c0_i32 = arith.constant 0 : i32
    %c0_i32_0 = arith.constant 0 : i32
    %c0_i32_1 = arith.constant 0 : i32
    return %c0_i32, %c0_i32_0 : i32, i32
  }
  func.func @transform_5(%arg0: i32) -> (i32, i32) {
    %c0_i32 = arith.constant 0 : i32
    %c0_i32_0 = arith.constant 0 : i32
    %c0_i32_1 = arith.constant 0 : i32
    return %c0_i32, %c0_i32_0 : i32, i32
  }
  func.func @transform_6(%arg0: i32) -> (i32, i32) {
    %c0_i32 = arith.constant 0 : i32
    %c0_i32_0 = arith.constant 0 : i32
    %c0_i32_1 = arith.constant 0 : i32
    return %c0_i32, %c0_i32_0 : i32, i32
  }
  func.func @transform_7(%arg0: i32) -> (i32, i32) {
    %c0_i32 = arith.constant 0 : i32
    %c0_i32_0 = arith.constant 0 : i32
    %c0_i32_1 = arith.constant 0 : i32
    return %c0_i32, %c0_i32_0 : i32, i32
  }
  func.func @transform_8(%arg0: i32) -> (i32, i32) {
    %c0_i32 = arith.constant 0 : i32
    %c0_i32_0 = arith.constant 0 : i32
    %c0_i32_1 = arith.constant 0 : i32
    return %c0_i32, %c0_i32_0 : i32, i32
  }
  func.func @transform_9(%arg0: i32) -> (i32, i32) {
    %c0_i32 = arith.constant 0 : i32
    %c0_i32_0 = arith.constant 0 : i32
    %c0_i32_1 = arith.constant 0 : i32
    return %c0_i32, %c0_i32_0 : i32, i32
  }
  func.func @transform_10(%arg0: i32) -> (i32, i32) {
    %c0_i32 = arith.constant 0 : i32
    %c0_i32_0 = arith.constant 0 : i32
    return %arg0, %c0_i32 : i32, i32
  }
}

module attributes {stable_mosaic.version = 14 : i64} {
  func.func @_tc_out_body(%arg0: i32, %arg1: memref<2x2000x16xf32, #tpu.memory_space<vmem>>, %arg2: memref<2000x16xf32, #tpu.memory_space<vmem>>, %arg3: memref<2000x2xf32, #tpu.memory_space<vmem>>) attributes {dimension_semantics = [#tpu.dimension_semantics<arbitrary>], iteration_bounds = array<i64: 5>, scalar_prefetch = 0 : i64, scratch_operands = 0 : i64, tpu.core_type = #tpu.core_type<tc>, window_params = [{transform_indices = @transform_0, window_bounds = array<i64: 2, 2000, 16>}, {transform_indices = @transform_1, window_bounds = array<i64: 2000, 16>}, {transform_indices = @transform_2, window_bounds = array<i64: 2000, 2>}]} {
    %get3A = arith.constant 0 : index
    %get3A_0 = arith.constant 0 : index
    %get3A_1 = arith.constant 0 : index
    %get3A_2 = vector.load %arg1[%get3A, %get3A_0, %get3A_1] : memref<2x2000x16xf32, #tpu.memory_space<vmem>>, vector<1x2000x16xf32>
    %get3A_3 = vector.shape_cast %get3A_2 : vector<1x2000x16xf32> to vector<2000x16xf32>
    %get3A_4 = arith.constant 1 : index
    %get3A_5 = arith.constant 0 : index
    %get3A_6 = arith.constant 0 : index
    %get3A_7 = vector.load %arg1[%get3A_4, %get3A_5, %get3A_6] : memref<2x2000x16xf32, #tpu.memory_space<vmem>>, vector<1x2000x16xf32>
    %get3A_8 = vector.shape_cast %get3A_7 : vector<1x2000x16xf32> to vector<2000x16xf32>
    %add3A = arith.addf %get3A_3, %get3A_8 : vector<2000x16xf32>
    %slice3A = vector.extract_strided_slice %add3A {offsets = [0, 0], sizes = [2000, 2], strides = [1, 1]} : vector<2000x16xf32> to vector<2000x2xf32>
    %get3A_9 = arith.constant 0 : index
    %get3A_10 = arith.constant 4 : index
    %get3A_11 = vector.load %arg2[%get3A_9, %get3A_10] : memref<2000x16xf32, #tpu.memory_space<vmem>>, vector<2000x1xf32>
    %mul3A = vector.broadcast %get3A_11 : vector<2000x1xf32> to vector<2000x2xf32>
    %mul3A_12 = arith.mulf %slice3A, %mul3A : vector<2000x2xf32>
    %get3A_13 = arith.constant 0 : index
    %get3A_14 = arith.constant 2 : index
    %get3A_15 = vector.load %arg2[%get3A_13, %get3A_14] : memref<2000x16xf32, #tpu.memory_space<vmem>>, vector<2000x2xf32>
    %add3A_16 = arith.addf %mul3A_12, %get3A_15 : vector<2000x2xf32>
    %swap3A = arith.constant 0 : index
    %swap3A_17 = arith.constant 0 : index
    %swap3A_18 = vector.load %arg3[%swap3A, %swap3A_17] : memref<2000x2xf32, #tpu.memory_space<vmem>>, vector<2000x2xf32>
    tpu.vector_store %arg3[%swap3A, %swap3A_17], %add3A_16 {strides = array<i32>} : memref<2000x2xf32, #tpu.memory_space<vmem>>, vector<2000x2xf32>,
    return
  }
  func.func @transform_0(%arg0: i32) -> (i32, i32, i32) {
    %c0_i32 = arith.constant 0 : i32
    %c0_i32_0 = arith.constant 0 : i32
    %c0_i32_1 = arith.constant 0 : i32
    return %c0_i32, %arg0, %c0_i32_0 : i32, i32, i32
  }
  func.func @transform_1(%arg0: i32) -> (i32, i32) {
    %c0_i32 = arith.constant 0 : i32
    %c0_i32_0 = arith.constant 0 : i32
    return %arg0, %c0_i32 : i32, i32
  }
  func.func @transform_2(%arg0: i32) -> (i32, i32) {
    %c0_i32 = arith.constant 0 : i32
    %c0_i32_0 = arith.constant 0 : i32
    return %arg0, %c0_i32 : i32, i32
  }
}

</mosaic_0001>

<sc_bundles>
// kernel: kernel.6.cloned.1.call-start
scs
__scs_entry_jumppad:
0x0: {  	(pc) =	sbr.rel $0x88, $3  }
0x1: {  	(tag) =	ssettag $0x0;
	lr =	simm.s32 $0x1  }
0x2: {  	[smem:$0x3F97] =	sst lr;
	_ =	strace $0xD0000000  }
0x3: {  	_ = 	snop  }
0x4: {  	_ = 	snop  }
0x5: {  	_ = 	snop  }
0x6: {  	_ = 	snop  }
0x7: {  	_ = 	snop  }
__scs_overlays_trampoline_lowered:
0x8: {  	[smem:$0x3FA6] =	sst s0  }
0x9: {  	[smem:$0x3FA7] =	sst s1  }
0xa: {  	[smem:$0x3FA8] =	sst s2  }
0xb: {  	[smem:$0x3FA9] =	sst s3  }
0xc: {  	[smem:$0x3FAA] =	sst s4  }
0xd: {  	[smem:$0x3FAB] =	sst s5  }
0xe: {  	[smem:$0x3FAC] =	sst s6  }
0xf: {  	[smem:$0x3FAD] =	sst s7  }
0x10: {  	[smem:$0x3FAE] =	sst s8  }
0x11: {  	[smem:$0x3FAF] =	sst s9;
	s0 =	simm.s32 @!p0 $0x0  }
0x12: {  	s1 =	sld [smem:$0x3F95];
	s0 =	simm.s32 @p0 $0x1  }
0x13: {  	[smem:$0x3FB0] =	sst s0;
	s0 =	simm.s32 @!p1 $0x0  }
0x14: {  	s2 =	sld [smem:$0x3F94];
	s0 =	simm.s32 @p1 $0x1  }
0x15: {  	[smem:$0x3FB1] =	sst s0;
	s0 =	simm.s32 @!p2 $0x0  }
0x16: {  	s3 =	sld [smem:$0x3FDB];
	s0 =	simm.s32 @p2 $0x1  }
0x17: {  	s4 =	simm.s32 $0x1BF5;
	[smem:$0x3FB3] =	sst s0  }
0x18: {  	s0 =	sld [smem:$0x3F96];
	_ =	swait.ge [sflag:s4], $0x0  }
0x19: {  	s7 =	sld [smem:$0x3F97]  }
0x1a: {  	s8 =	sadd.s32 $0xFFFFE003, lr  }
0x1b: {  	s9 =	sadd.s32 $0xFFFFFEF7, lr;
	s5 =	simm.s32 $0xFFFFFFFF;
	p2 =	slt.u32 s8, $0xFFFFF086  }
0x1c: {  	p1 =	slt.u32 s9, $0xF7A;
	s5 =	simm.s32 @!p2 $0x0  }
0x1d: {  	s5 =	simm.s32 @p1 $0x1;
	p0 =	seq.s32 s7, s2  }
0x1e: {  	s7 =	smul.u32 @!p0 $0xF7A, s2;
	p2 =	seq.s32 @!p0 s5, $0x0  }
0x1f: {  	s9 =	smul.u32 $0xF7A, s1;
	s8 =	simm.s32 @!p0 $0x1BF5;
	p2 =	por !p2, p0  }
0x20: {  	[sflag:s8] =	ssyncset.s32 @!p0 $0xFFFFF086;
	s6 =	sadd.s32 @!p0 s3, s7;
	s7 =	simm.s32 @!p0 $0x108  }
0x21: {  	s3 =	sadd.s32 s3, s9;
	s6 =	sadd.s32 @!p0 $0x88, s6;
	s7 =	simm.s32 @p2 $0x1082  }
0x22: {  	[simem:s7], [sflag:s8] =	dma.local @!p0 [hbm:s6], $0xF7A  }
0x23: {  	s9 =	sor.u32 $0xD0000000, s2;
	s6 =	simm.s32 $0x108;
	_ =	swait.ge @!p0 [sflag:s8], $0x0  }
0x24: {  	s3 =	sadd.s32 $0x88, s3;
	s6 =	simm.s32 @!p1 $0x1082;
	[sflag:s4] =	ssyncset.s32 $0xFFFFF086  }
0x25: {  	[simem:s6], [sflag:s4] =	dma.local [hbm:s3], $0xF7A  }
0x26: {  	[smem:$0x3F97] =	sst s1;
	(tag) =	ssettag s2;
	_ =	strace s9  }
0x27: {  	s1 =	sld [smem:$0x3FA7]  }
0x28: {  	s2 =	sld [smem:$0x3FA8]  }
0x29: {  	s4 =	sld [smem:$0x3FAA]  }
0x2a: {  	p0 =	seq.s32 s5, $0x0;
	s5 =	sld [smem:$0x3FAB]  }
0x2b: {  	s6 =	sld [smem:$0x3FAC]  }
0x2c: {  	s7 =	sld [smem:$0x3FAD]  }
0x2d: {  	s3 =	simm.s32 $0x108;
	s8 =	sld [smem:$0x3FAE]  }
0x2e: {  	s3 =	simm.s32 @!p0 $0x1082;
	s9 =	sld [smem:$0x3FAF]  }
0x2f: {  	lr =	sadd.s32 s0, s3;
	s0 =	sld [smem:$0x3FA6]  }
0x30: {  	s3 =	sld [smem:$0x3FA9]  }
0x31: {  	[smem:$0x3FB2] =	sst s10  }
0x32: {  	s10 =	sld [smem:$0x3FB0];
	_ =	sdelay $0x3  }
0x33: {  	p0 =	seq.s32 s10, $0x1;
	s10 =	sld [smem:$0x3FB2];
	_ =	sdelay $0x3  }
0x34: {  	[smem:$0x3FB2] =	sst s10  }
0x35: {  	s10 =	sld [smem:$0x3FB1];
	_ =	sdelay $0x3  }
0x36: {  	p1 =	seq.s32 s10, $0x1;
	s10 =	sld [smem:$0x3FB2];
	_ =	sdelay $0x3  }
0x37: {  	[smem:$0x3FB2] =	sst s10  }
0x38: {  	s10 =	sld [smem:$0x3FB3]  }
0x39: {  	_ = 	snop;
	(pc) =	sbr.ind lr, $3  }
0x3a: {  	_ = 	snop  }
0x3b: {  	_ = 	snop  }
0x3c: {  	p2 =	seq.s32 s10, $0x1;
	s10 =	sld [smem:$0x3FB2]  }
0x3d: {  	_ =	shalt  }
0x3e: {  	_ =	shalt  }
0x3f: {  	_ =	shalt  }
0x40: {  	_ =	shalt  }
0x41: {  	_ =	shalt  }
0x42: {  	_ =	shalt  }
0x43: {  	_ =	shalt  }
0x44: {  	_ =	shalt  }
0x45: {  	_ =	shalt  }
0x46: {  	_ =	shalt  }
0x47: {  	_ =	shalt  }
0x48: {  	_ =	shalt  }
0x49: {  	_ =	shalt  }
0x4a: {  	_ =	shalt  }
0x4b: {  	_ =	shalt  }
0x4c: {  	_ =	shalt  }
0x4d: {  	_ =	shalt  }
0x4e: {  	_ =	shalt  }
0x4f: {  	_ =	shalt  }
0x50: {  	_ =	shalt  }
0x51: {  	_ =	shalt  }
0x52: {  	_ =	shalt  }
0x53: {  	_ =	shalt  }
0x54: {  	_ =	shalt  }
0x55: {  	_ =	shalt  }
0x56: {  	_ =	shalt  }
0x57: {  	_ =	shalt  }
0x58: {  	_ =	shalt  }
0x59: {  	_ =	shalt  }
0x5a: {  	_ =	shalt  }
0x5b: {  	_ =	shalt  }
0x5c: {  	_ =	shalt  }
0x5d: {  	_ =	shalt  }
0x5e: {  	_ =	shalt  }
0x5f: {  	_ =	shalt  }
0x60: {  	_ =	shalt  }
0x61: {  	_ =	shalt  }
0x62: {  	_ =	shalt  }
0x63: {  	_ =	shalt  }
0x64: {  	_ =	shalt  }
0x65: {  	_ =	shalt  }
0x66: {  	_ =	shalt  }
0x67: {  	_ =	shalt  }
0x68: {  	_ =	shalt  }
0x69: {  	_ =	shalt  }
0x6a: {  	_ =	shalt  }
0x6b: {  	_ =	shalt  }
0x6c: {  	_ =	shalt  }
0x6d: {  	_ =	shalt  }
0x6e: {  	_ =	shalt  }
0x6f: {  	_ =	shalt  }
0x70: {  	_ =	shalt  }
0x71: {  	_ =	shalt  }
0x72: {  	_ =	shalt  }
0x73: {  	_ =	shalt  }
0x74: {  	_ =	shalt  }
0x75: {  	_ =	shalt  }
0x76: {  	_ =	shalt  }
0x77: {  	_ =	shalt  }
0x78: {  	_ =	shalt  }
0x79: {  	_ =	shalt  }
0x7a: {  	_ =	shalt  }
0x7b: {  	_ =	shalt  }
0x7c: {  	_ =	shalt  }
0x7d: {  	_ =	shalt  }
0x7e: {  	_ =	shalt  }
0x7f: {  	_ =	shalt  }
0x80: {  	_ =	shalt  }
0x81: {  	_ =	shalt  }
0x82: {  	_ =	shalt  }
0x83: {  	_ =	shalt  }
0x84: {  	_ =	shalt  }
0x85: {  	_ =	shalt  }
0x86: {  	_ =	shalt  }
0x87: {  	_ =	shalt  }
.Lfunc_end0:
.L_simem_size_0:
called_computation_lowered:
.L_overlay_start_0:
0x88: {  	s2 =	sld [smem:$0x3FD9]  }
0x89: {  	s3 =	sld [smem:$0x3FFE];
	_ =	sdelay $0x1  }
0x8a: {  	s1 =	srdreg.scid  }
0x8b: {  	s0 =	sand.u32 $0x1, s1  }
0x8c: {  	s16 =	sshll.u32 s0, $0xA;
	s2 =	sadd.s32 s3, s2  }
0x8d: {  	s2 =	sadd.s32 s2, s16  }
0x8e: {  	[smem:$0x3FBE] =	sst s2  }
0x8f: {  	_ = 	snop  }
0x90: {  	(tm) =	ssettm $0x1  }
0x91: {  	s17 =	sld [smem:$0x3FFB];
	_ =	sdelay $0x3  }
0x92: {  	_ =	strace s17  }
0x93: {  	s2 =	sld [smem:$0x3FFC];
	_ =	sdelay $0x3  }
0x94: {  	_ =	strace s2  }
0x95: {  	s2 =	sld [smem:$0x3FFD];
	_ =	sdelay $0x3  }
0x96: {  	_ =	strace s2  }
0x97: {  	_ =	strace $0x8FFFFFFF  }
0x98: {  	s18 =	sld [smem:$0x3FDB];
	_ =	sdelay $0x1  }
0x99: {  	s19 =	simm.s32 $_scs_section_size  }
0x9a: {  	s4 =	simm.s32 $_size__tile_overlayer_lowered;
	s5 =	simm.s32 $_tile_overlayer_lowered  }
0x9b: {  	s22 =	simm.s32 $0x1BFF;
	s21 =	sshll.u32 s5, $0x1;
	s2 =	sadd.s32 s19, s18  }
0x9c: {  	s6 =	simm.s32 $0x0;
	s20 =	sshll.u32 s4, $0x1;
	s4 =	sadd.s32 s21, s2  }
0x9d: {  	[timem:s6], [sflag:s22] =	dma.local [hbm:s4], s20  }
0x9e: {  	_ =	swait.ge [sflag:s22], s20  }
0x9f: {  	s3 =	ssub.s32 $0x0, s20;
	[sflag:s22] =	ssyncset.done $0x0  }
0xa0: {  	[sflag:s22] =	ssyncadd.s32 s3;
	_ =	sdelay $0x1  }
0xa1: {  	s23 =	simm.s32 $0x1B8B  }
0xa2: {  	_ =	swait.ge [sflag:s23], $0x1  }
0xa3: {  	[sflag:s23] =	ssyncset.done $0x0  }
0xa4: {  	s25 =	simm.s32 $0x1B8E;
	s24 =	sld [smem:$0x3FFE];
	[sflag:s23] =	ssyncadd.s32 $0xFFFFFFFF  }
0xa5: {  	s26 =	simm.s32 $execute0_lowered;
	[smem:$0x3FD2] =	sst s25  }
0xa6: {  	s4 =	sshll.u32 s26, $0x1;
	_ =	strace $0x80000046;
	[dreg:$0x1] =	wrdreg $0xFFFFFFFF  }
0xa7: {  	s28 =	simm.s32 $_size_execute0_lowered;
	s2 =	sadd.s32 s2, s4;
	[dreg:$0x0] =	wrdreg $0x0  }
0xa8: {  	s4 =	sshll.u32 s28, $0x1;
	[dreg:$0x2] =	wrdreg s2  }
0xa9: {  	[dreg:$0x3] =	wrdreg s4  }
0xaa: {  	[dreg:$0x4] =	wrdreg $0xC0  }
0xab: {  	_ =	task [dreg:s6], $0x5FFFF  }
0xac: {  	[dreg:$0x1] =	wrdreg $0xFFFFFFFF  }
0xad: {  	[dreg:$0x0] =	wrdreg $0x60  }
0xae: {  	[dreg:$0x2] =	wrdreg s24  }
0xaf: {  	[dreg:$0x3] =	wrdreg $0x49000  }
0xb0: {  	[dreg:$0x4] =	wrdreg $0x9  }
0xb1: {  	_ =	task.clear_ibuf [dreg:s6], $0x5FFFF;
	_ =	strace $0x90000046  }
0xb2: {  	s29 =	simm.s32 $0x9;
	_ =	strace $0x80000048  }
0xb3: {  	_ =	swait.ge [sflag:s29], $0x1  }
0xb4: {  	[sflag:s29] =	ssyncadd.s32 $0xFFFFFFFF  }
0xb5: {  	_ =	strace $0x90000048  }
0xb6: {  	_ =	sfence  }
0xb7: {  	s30 =	sld [smem:$0x0];
	_ =	sdelay $0x2  }
0xb8: {  	s31 =	sshll.u32 s1, $0xD;
	s1 =	sshrl.u32 s1, $0x2  }
0xb9: {  	s3 =	sand.u32 $0x4000, s31;
	s1 =	sadd.s32 s1, s30  }
0xba: {  	s0 =	sor.u32 s3, s0;
	s1 =	sshll.u32 s1, $0x11  }
0xbb: {  	s0 =	sor.u32 s1, s0  }
0xbc: {  	s0 =	sadd.s32 $0x8F2B, s0  }
0xbd: {  	[sflag:s0] =	ssyncadd.remote.s32 $0x1  }
0xbe: {  	_ =	sfence.sel $0xFFFF  }
0xbf: {  	[dreg:$0x0] =	wrdreg $0xFFFFFFFF;
	(pc) =	sbr.abs _section_cstart, $3  }
0xc0: {  	[dreg:$0x1] =	wrdreg $0xFFFFFFFF  }
0xc1: {  	_ =	task.clear_ibuf [dreg:s6], $0x2FFFF;
	_ =	strace $0x9FFFFFFF  }
0xc2: {  	(tm) =	ssettm $0x7FFFFFFF  }
0xc3: {  	_ =	shalt  }
tec
execute0_lowered:
.L_overlay_start_1:
0x0: {  	(tag) =	ssettag $0x1  }
0x1: {  	s1 =	srdreg.scid;
	s5 =	rddreg [dreg:$0x0]  }
0x2: {  	s0 =	stileid.u32;
	s2 =	rddreg [dreg:$0x1]  }
0x3: {  	s3 =	simm.s32 $0x0;
	s14 =	simm.s32 $0x100;
	s4 =	smul.u32 $0x4F00, s0  }
0x4: {  	s15 =	simm.s32 $0x2;
	s16 =	simm.s32 $0x80;
	s8 =	smul.u32 $0x16800, s0  }
0x5: {  	s17 =	simm.s32 $0x1;
	s6 =	sand.u32 $0x1, s1;
	s10 =	smul.u32 $0x5A000, s0  }
0x6: {  	s20 =	simm.s32 $0x0;
	s1 =	rddreg [dreg:$0x2];
	s7 =	smul.u32 $0x2780, s6  }
0x7: {  	[smem:$0x7FF] =	sst s3;
	s18 =	sshll.u32 s0, $0x6;
	s28 =	smul.u32 $0x168000, s6  }
0x8: {  	_ =	strace $0x80000047;
	s6 =	ssub.s32 $0x2, s6;
	s18 =	sor.u32 $0x1C02, s18  }
0x9: {  	s29 =	sshrl.u32 s10, $0x2;
	s31 =	sshrl.u32 s6, $0x1;
	s4 =	sadd.s32 s7, s4  }
0xa: {  	s7 =	sadd.s32 s8, s28;
	s11 =	ssub.s32 s6, s31;
	s9 =	sshrl.u32 s4, $0x3  }
0xb: {  	s4 =	sadd.s32 $0x1200, s5;
	s7 =	sshrl.u32 s7, $0x3;
	s11 =	smax.u32 s11, $0x1  }
0xc: {  	s13 =	sadd.s32 s9, s5;
	s30 =	sadd.s32 s7, s5;
	s9 =	sadd.s32 s29, s2  }
0xd: {  	s5 =	sadd.s32 s8, s2;
	s6 =	sadd.s32 $0x4800, s9;
	s7 =	sadd.s32 $0x9000, s9  }
0xe: {  	s8 =	sadd.s32 $0xD800, s9;
	s9 =	sadd.s32 $0x12000, s9;
	s10 =	sadd.s32 $0x40E00, s30  }
0xf: {  	v0 =	vimm.f32 $0.0e+00;
	s12 =	sadd.s32 $0x2D200, s13;
	s13 =	sadd.s32 $0x37000, s13;
	s19 =	sshrl.u32 s5, $0x3  }
.LBB2_1:
0x10: {  	s21 =	simm.s32 $0x0;
	s22 =	simm.s32 $0x240  }
.LBB2_2:
0x11: {  	p0 =	sne.s32 s22, $0x11DC0;
	[tilespmem:s21+$0x180] =	vst v0  }
0x12: {  	[tilespmem:s21+$0x100] =	vst v0  }
0x13: {  	[tilespmem:s21+$0x110] =	vst v0  }
0x14: {  	[tilespmem:s21+$0x120] =	vst v0  }
.Ltmp0:
0x15: {  	[tilespmem:s21+$0x130] =	vst v0;
	(pc) =	sbr.rel @p0 .LBB2_2-.Ltmp0, $4  }
0x16: {  	[tilespmem:s21+$0x140] =	vst v0  }
0x17: {  	[tilespmem:s21+$0x150] =	vst v0  }
0x18: {  	[tilespmem:s21+$0x160] =	vst v0  }
0x19: {  	[tilespmem:s21+$0x170] =	vst v0;
	s21 =	sshra.s32 s22, $0x2;
	s22 =	sadd.s32 $0x240, s22  }
0x1a: {  	[tilespmem:s21+$0x180] =	vst v0  }
0x1b: {  	[tilespmem:s21+$0x100] =	vst v0  }
0x1c: {  	[tilespmem:s21+$0x110] =	vst v0  }
0x1d: {  	[tilespmem:s21+$0x120] =	vst v0  }
0x1e: {  	[tilespmem:s21+$0x130] =	vst v0  }
0x1f: {  	[tilespmem:s21+$0x140] =	vst v0  }
0x20: {  	[tilespmem:s21+$0x150] =	vst v0  }
0x21: {  	[tilespmem:s21+$0x160] =	vst v0  }
0x22: {  	[tilespmem:s21+$0x170] =	vst v0  }
0x23: {  	[spmem:s5] =	stream.linear.scatter [tilespmem:s14], [sflag:$0x2], $0x4800, $0x38;
	[tilespmem:$0x1B100] =	vst v63  }
0x24: {  	_ =	swait.ge [sflag:s15], $0x4800  }
0x25: {  	[sflag:s15] =	ssyncset.done $0x0  }
0x26: {  	[sflag:s15] =	ssyncadd.s32 $0xFFFFB800  }
0x27: {  	[spmem:s6] =	stream.linear.scatter [tilespmem:s14], [sflag:$0x2], $0x4800, $0x38;
	[tilespmem:$0x1B100] =	vst v63  }
0x28: {  	_ =	swait.ge [sflag:s15], $0x4800  }
0x29: {  	[sflag:s15] =	ssyncset.done $0x0  }
0x2a: {  	[sflag:s15] =	ssyncadd.s32 $0xFFFFB800  }
0x2b: {  	[spmem:s7] =	stream.linear.scatter [tilespmem:s14], [sflag:$0x2], $0x4800, $0x38;
	[tilespmem:$0x1B100] =	vst v63  }
0x2c: {  	_ =	swait.ge [sflag:s15], $0x4800  }
0x2d: {  	[sflag:s15] =	ssyncset.done $0x0  }
0x2e: {  	[sflag:s15] =	ssyncadd.s32 $0xFFFFB800  }
0x2f: {  	[spmem:s8] =	stream.linear.scatter [tilespmem:s14], [sflag:$0x2], $0x4800, $0x38;
	[tilespmem:$0x1B100] =	vst v63  }
0x30: {  	_ =	swait.ge [sflag:s15], $0x4800  }
0x31: {  	[sflag:s15] =	ssyncset.done $0x0  }
0x32: {  	[sflag:s15] =	ssyncadd.s32 $0xFFFFB800  }
0x33: {  	[spmem:s9] =	stream.linear.scatter [tilespmem:s14], [sflag:$0x2], $0x4800, $0x38;
	[tilespmem:$0x1B100] =	vst v63  }
0x34: {  	_ =	swait.ge [sflag:s15], $0x4800  }
0x35: {  	[sflag:s15] =	ssyncset.done $0x0  }
0x36: {  	[sflag:s15] =	ssyncadd.s32 $0xFFFFB800  }
0x37: {  	s30 =	sadd.s32 $0x0, s13;
	[bflag:$0x0] =	sbarrier.arrive $0xFFFF  }
0x38: {  	[tilespmem:s3], [sflag:$0x2] =	stream.linear.gather [hbm4b:s30+s3], $0x80, $0x38;
	[tilespmem:$0x1B100] =	vst v63  }
0x39: {  	_ =	swait.ge [sflag:s15], $0x80  }
0x3a: {  	[sflag:s15] =	ssyncset.done $0x0  }
0x3b: {  	s31 =	sadd.s32 $0x0, s12;
	[sflag:s15] =	ssyncadd.s32 $0xFFFFFF80  }
0x3c: {  	[tilespmem:s16], [sflag:$0x2] =	stream.linear.gather [hbm4b:s31+s3], $0x80, $0x38;
	[tilespmem:$0x1B100] =	vst v63  }
0x3d: {  	_ =	swait.ge [sflag:s15], $0x80  }
0x3e: {  	[sflag:s15] =	ssyncset.done $0x0  }
0x3f: {  	[sflag:s15] =	ssyncadd.s32 $0xFFFFFF80  }
0x40: {  	[tilespmem:s14], [sflag:$0x1] =	stream.indirect.gather [hbm4b:s4+s16], $0x90, s3, s16, $0xb8;
	[tilespmem:$0x1B100] =	vst v63  }
0x41: {  	_ =	swait.ge [sflag:s17], $0x4800  }
0x42: {  	[sflag:s17] =	ssyncset.done $0x0  }
0x43: {  	[sflag:s17] =	ssyncadd.s32 $0xFFFFB800  }
0x44: {  	[spmem:s2] =	stream.indirect.scatter.add.f32 [tilespmem:s14], [sflag:$0x2], $0x90, s16, s16, $0xb8;
	[tilespmem:$0x1B100] =	vst v63  }
0x45: {  	_ =	swait.ge [sflag:s15], $0x4800  }
0x46: {  	s21 =	simm.s32 $0x10;
	s22 =	simm.s32 $0x20;
	[sflag:s15] =	ssyncset.done $0x0  }
.LBB2_4:
0x47: {  	s23 =	sadd.s32 s21, s13  }
0x48: {  	[sflag:s15] =	ssyncadd.s32 $0xFFFFB800;
	s24 =	smov.u32 s22;
	s25 =	sadd.s32 $0x10, s22  }
0x49: {  	[tilespmem:s3], [sflag:$0x2] =	stream.linear.gather [hbm4b:s23+s3], $0x80, $0x38;
	[tilespmem:$0x1B100] =	vst v63  }
0x4a: {  	p0 =	sne.s32 s22, $0x4E0;
	_ =	swait.ge [sflag:s15], $0x80  }
0x4b: {  	[sflag:s15] =	ssyncset.done $0x0  }
0x4c: {  	s22 =	sadd.s32 s21, s12;
	s21 =	smov.u32 s24;
	[sflag:s15] =	ssyncadd.s32 $0xFFFFFF80  }
0x4d: {  	[tilespmem:s16], [sflag:$0x2] =	stream.linear.gather [hbm4b:s22+s3], $0x80, $0x38;
	[tilespmem:$0x1B100] =	vst v63  }
0x4e: {  	_ =	swait.ge [sflag:s15], $0x80  }
0x4f: {  	[sflag:s15] =	ssyncset.done $0x0  }
0x50: {  	[sflag:s15] =	ssyncadd.s32 $0xFFFFFF80  }
0x51: {  	[tilespmem:s14], [sflag:$0x1] =	stream.indirect.gather [hbm4b:s4+s16], $0x90, s3, s16, $0xb8;
	[tilespmem:$0x1B100] =	vst v63  }
0x52: {  	_ =	swait.ge [sflag:s17], $0x4800  }
.Ltmp1:
0x53: {  	[sflag:s17] =	ssyncset.done $0x0;
	(pc) =	sbr.rel @p0 .LBB2_4-.Ltmp1, $4  }
0x54: {  	[sflag:s17] =	ssyncadd.s32 $0xFFFFB800  }
0x55: {  	[spmem:s2] =	stream.indirect.scatter.add.f32 [tilespmem:s14], [sflag:$0x2], $0x90, s16, s16, $0xb8;
	[tilespmem:$0x1B100] =	vst v63  }
0x56: {  	_ =	swait.ge [sflag:s15], $0x4800  }
0x57: {  	s22 =	smov.u32 s25;
	[sflag:s15] =	ssyncset.done $0x0  }
0x58: {  	s22 =	sadd.s32 s21, s13;
	[sflag:s15] =	ssyncadd.s32 $0xFFFFB800  }
0x59: {  	[tilespmem:s3], [sflag:$0x2] =	stream.linear.gather [hbm4b:s22+s3], $0x80, $0x38;
	[tilespmem:$0x1B100] =	vst v63  }
0x5a: {  	_ =	swait.ge [sflag:s15], $0x80  }
0x5b: {  	[sflag:s15] =	ssyncset.done $0x0  }
0x5c: {  	s31 =	sadd.s32 s21, s12;
	[sflag:s15] =	ssyncadd.s32 $0xFFFFFF80  }
0x5d: {  	[tilespmem:s16], [sflag:$0x2] =	stream.linear.gather [hbm4b:s31+s3], $0x80, $0x38;
	[tilespmem:$0x1B100] =	vst v63  }
0x5e: {  	_ =	swait.ge [sflag:s15], $0x80  }
0x5f: {  	[sflag:s15] =	ssyncset.done $0x0  }
0x60: {  	[sflag:s15] =	ssyncadd.s32 $0xFFFFFF80  }
0x61: {  	[tilespmem:s14], [sflag:$0x1] =	stream.indirect.gather [hbm4b:s4+s16], $0x90, s3, s16, $0xb8;
	[tilespmem:$0x1B100] =	vst v63  }
0x62: {  	_ =	swait.ge [sflag:s17], $0x4800  }
0x63: {  	[sflag:s17] =	ssyncset.done $0x0  }
0x64: {  	[sflag:s17] =	ssyncadd.s32 $0xFFFFB800  }
0x65: {  	[spmem:s2] =	stream.indirect.scatter.add.f32 [tilespmem:s14], [sflag:$0x2], $0x90, s16, s16, $0xb8;
	[tilespmem:$0x1B100] =	vst v63  }
0x66: {  	_ =	swait.ge [sflag:s15], $0x4800  }
0x67: {  	s20 =	sadd.s32 $0x1, s20;
	[sflag:s15] =	ssyncset.done $0x0  }
0x68: {  	p0 =	sne.s32 s20, s11;
	[sflag:s15] =	ssyncadd.s32 $0xFFFFB800  }
.Ltmp2:
0x69: {  	[bflag:$0x0] =	sbarrier.arrive $0xFFFF;
	(pc) =	sbr.rel @p0 .LBB2_1-.Ltmp2, $4  }
0x6a: {  	[hbm:s10], [sflag:s18] =	dma.local [spmem:s19], $0x2D00  }
0x6b: {  	_ =	swait.ge [sflag:s15], $0x2D00  }
0x6c: {  	[sflag:s15] =	ssyncset.done $0x0  }
0x6d: {  	[sflag:s15] =	ssyncadd.s32 $0xFFFFD300  }
0x6e: {  	_ =	sfence.sel $0x180000  }
0x6f: {  	[bflag:$0x0] =	sbarrier.arrive $0xFFFF  }
0x70: {  	p0 =	sne.s32 s0, $0x0;
	_ =	strace $0x90000047  }
0x71: {  	s0 =	sadd.s32 @!p0 $0x100000, s1;
	[bflag:$0x2] =	sbarrier.arrive $0xFFFF  }
0x72: {  	[sflag:s0] =	ssyncadd.tile.s32 @!p0 $0x1;
	_ =	shalt  }
.Lfunc_end2:
_tile_overlayer_lowered:
.L_overlay_start_2:
0x73: {  	(tag) =	ssettag $0x2  }
0x74: {  	s0 =	rddreg [dreg:$0x0];
	s2 =	stileid.u32  }
0x75: {  	s1 =	rddreg [dreg:$0x1];
	p0 =	sne.s32 s2, $0x0  }
0x76: {  	s3 =	rddreg [dreg:$0x2];
	[bflag:$0x3] =	sbarrier.arrive $0xFFFF;
	s2 =	simm.s32 @!p0 $0x1C02  }
0x77: {  	[timem:s3], [sflag:s2] =	dma.local @!p0 [hbm:s0], s1  }
0x78: {  	s0 =	simm.s32 @!p0 $0x2  }
0x79: {  	_ =	swait.ge @!p0 [sflag:s0], s1  }
0x7a: {  	s1 =	ssub.s32 @!p0 $0x0, s1;
	[sflag:s0] =	ssyncset.done @!p0 $0x0  }
0x7b: {  	[sflag:s0] =	ssyncadd.s32 @!p0 s1  }
0x7c: {  	[bflag:$0x3] =	sbarrier.arrive $0xFFFF  }
0x7d: {  	_ =	shalt  }

// kernel: kernel.9.cloned.1.call-start
scs
__scs_entry_jumppad:
0x0: {  	(pc) =	sbr.rel $0x88, $3  }
0x1: {  	(tag) =	ssettag $0x0;
	lr =	simm.s32 $0x1  }
0x2: {  	[smem:$0x3F97] =	sst lr;
	_ =	strace $0xD0000000  }
0x3: {  	_ = 	snop  }
0x4: {  	_ = 	snop  }
0x5: {  	_ = 	snop  }
0x6: {  	_ = 	snop  }
0x7: {  	_ = 	snop  }
__scs_overlays_trampoline_lowered:
0x8: {  	[smem:$0x3FA6] =	sst s0  }
0x9: {  	[smem:$0x3FA7] =	sst s1  }
0xa: {  	[smem:$0x3FA8] =	sst s2  }
0xb: {  	[smem:$0x3FA9] =	sst s3  }
0xc: {  	[smem:$0x3FAA] =	sst s4  }
0xd: {  	[smem:$0x3FAB] =	sst s5  }
0xe: {  	[smem:$0x3FAC] =	sst s6  }
0xf: {  	[smem:$0x3FAD] =	sst s7  }
0x10: {  	[smem:$0x3FAE] =	sst s8  }
0x11: {  	[smem:$0x3FAF] =	sst s9;
	s0 =	simm.s32 @!p0 $0x0  }
0x12: {  	s1 =	sld [smem:$0x3F95];
	s0 =	simm.s32 @p0 $0x1  }
0x13: {  	[smem:$0x3FB0] =	sst s0;
	s0 =	simm.s32 @!p1 $0x0  }
0x14: {  	s2 =	sld [smem:$0x3F94];
	s0 =	simm.s32 @p1 $0x1  }
0x15: {  	[smem:$0x3FB1] =	sst s0;
	s0 =	simm.s32 @!p2 $0x0  }
0x16: {  	s3 =	sld [smem:$0x3FDB];
	s0 =	simm.s32 @p2 $0x1  }
0x17: {  	s4 =	simm.s32 $0x1BF5;
	[smem:$0x3FB3] =	sst s0  }
0x18: {  	s0 =	sld [smem:$0x3F96];
	_ =	swait.ge [sflag:s4], $0x0  }
0x19: {  	s7 =	sld [smem:$0x3F97]  }
0x1a: {  	s8 =	sadd.s32 $0xFFFFE003, lr  }
0x1b: {  	s9 =	sadd.s32 $0xFFFFFEF7, lr;
	s5 =	simm.s32 $0xFFFFFFFF;
	p2 =	slt.u32 s8, $0xFFFFF086  }
0x1c: {  	p1 =	slt.u32 s9, $0xF7A;
	s5 =	simm.s32 @!p2 $0x0  }
0x1d: {  	s5 =	simm.s32 @p1 $0x1;
	p0 =	seq.s32 s7, s2  }
0x1e: {  	s7 =	smul.u32 @!p0 $0xF7A, s2;
	p2 =	seq.s32 @!p0 s5, $0x0  }
0x1f: {  	s9 =	smul.u32 $0xF7A, s1;
	s8 =	simm.s32 @!p0 $0x1BF5;
	p2 =	por !p2, p0  }
0x20: {  	[sflag:s8] =	ssyncset.s32 @!p0 $0xFFFFF086;
	s6 =	sadd.s32 @!p0 s3, s7;
	s7 =	simm.s32 @!p0 $0x108  }
0x21: {  	s3 =	sadd.s32 s3, s9;
	s6 =	sadd.s32 @!p0 $0x88, s6;
	s7 =	simm.s32 @p2 $0x1082  }
0x22: {  	[simem:s7], [sflag:s8] =	dma.local @!p0 [hbm:s6], $0xF7A  }
0x23: {  	s9 =	sor.u32 $0xD0000000, s2;
	s6 =	simm.s32 $0x108;
	_ =	swait.ge @!p0 [sflag:s8], $0x0  }
0x24: {  	s3 =	sadd.s32 $0x88, s3;
	s6 =	simm.s32 @!p1 $0x1082;
	[sflag:s4] =	ssyncset.s32 $0xFFFFF086  }
0x25: {  	[simem:s6], [sflag:s4] =	dma.local [hbm:s3], $0xF7A  }
0x26: {  	[smem:$0x3F97] =	sst s1;
	(tag) =	ssettag s2;
	_ =	strace s9  }
0x27: {  	s1 =	sld [smem:$0x3FA7]  }
0x28: {  	s2 =	sld [smem:$0x3FA8]  }
0x29: {  	s4 =	sld [smem:$0x3FAA]  }
0x2a: {  	p0 =	seq.s32 s5, $0x0;
	s5 =	sld [smem:$0x3FAB]  }
0x2b: {  	s6 =	sld [smem:$0x3FAC]  }
0x2c: {  	s7 =	sld [smem:$0x3FAD]  }
0x2d: {  	s3 =	simm.s32 $0x108;
	s8 =	sld [smem:$0x3FAE]  }
0x2e: {  	s3 =	simm.s32 @!p0 $0x1082;
	s9 =	sld [smem:$0x3FAF]  }
0x2f: {  	lr =	sadd.s32 s0, s3;
	s0 =	sld [smem:$0x3FA6]  }
0x30: {  	s3 =	sld [smem:$0x3FA9]  }
0x31: {  	[smem:$0x3FB2] =	sst s10  }
0x32: {  	s10 =	sld [smem:$0x3FB0];
	_ =	sdelay $0x3  }
0x33: {  	p0 =	seq.s32 s10, $0x1;
	s10 =	sld [smem:$0x3FB2];
	_ =	sdelay $0x3  }
0x34: {  	[smem:$0x3FB2] =	sst s10  }
0x35: {  	s10 =	sld [smem:$0x3FB1];
	_ =	sdelay $0x3  }
0x36: {  	p1 =	seq.s32 s10, $0x1;
	s10 =	sld [smem:$0x3FB2];
	_ =	sdelay $0x3  }
0x37: {  	[smem:$0x3FB2] =	sst s10  }
0x38: {  	s10 =	sld [smem:$0x3FB3]  }
0x39: {  	_ = 	snop;
	(pc) =	sbr.ind lr, $3  }
0x3a: {  	_ = 	snop  }
0x3b: {  	_ = 	snop  }
0x3c: {  	p2 =	seq.s32 s10, $0x1;
	s10 =	sld [smem:$0x3FB2]  }
0x3d: {  	_ =	shalt  }
0x3e: {  	_ =	shalt  }
0x3f: {  	_ =	shalt  }
0x40: {  	_ =	shalt  }
0x41: {  	_ =	shalt  }
0x42: {  	_ =	shalt  }
0x43: {  	_ =	shalt  }
0x44: {  	_ =	shalt  }
0x45: {  	_ =	shalt  }
0x46: {  	_ =	shalt  }
0x47: {  	_ =	shalt  }
0x48: {  	_ =	shalt  }
0x49: {  	_ =	shalt  }
0x4a: {  	_ =	shalt  }
0x4b: {  	_ =	shalt  }
0x4c: {  	_ =	shalt  }
0x4d: {  	_ =	shalt  }
0x4e: {  	_ =	shalt  }
0x4f: {  	_ =	shalt  }
0x50: {  	_ =	shalt  }
0x51: {  	_ =	shalt  }
0x52: {  	_ =	shalt  }
0x53: {  	_ =	shalt  }
0x54: {  	_ =	shalt  }
0x55: {  	_ =	shalt  }
0x56: {  	_ =	shalt  }
0x57: {  	_ =	shalt  }
0x58: {  	_ =	shalt  }
0x59: {  	_ =	shalt  }
0x5a: {  	_ =	shalt  }
0x5b: {  	_ =	shalt  }
0x5c: {  	_ =	shalt  }
0x5d: {  	_ =	shalt  }
0x5e: {  	_ =	shalt  }
0x5f: {  	_ =	shalt  }
0x60: {  	_ =	shalt  }
0x61: {  	_ =	shalt  }
0x62: {  	_ =	shalt  }
0x63: {  	_ =	shalt  }
0x64: {  	_ =	shalt  }
0x65: {  	_ =	shalt  }
0x66: {  	_ =	shalt  }
0x67: {  	_ =	shalt  }
0x68: {  	_ =	shalt  }
0x69: {  	_ =	shalt  }
0x6a: {  	_ =	shalt  }
0x6b: {  	_ =	shalt  }
0x6c: {  	_ =	shalt  }
0x6d: {  	_ =	shalt  }
0x6e: {  	_ =	shalt  }
0x6f: {  	_ =	shalt  }
0x70: {  	_ =	shalt  }
0x71: {  	_ =	shalt  }
0x72: {  	_ =	shalt  }
0x73: {  	_ =	shalt  }
0x74: {  	_ =	shalt  }
0x75: {  	_ =	shalt  }
0x76: {  	_ =	shalt  }
0x77: {  	_ =	shalt  }
0x78: {  	_ =	shalt  }
0x79: {  	_ =	shalt  }
0x7a: {  	_ =	shalt  }
0x7b: {  	_ =	shalt  }
0x7c: {  	_ =	shalt  }
0x7d: {  	_ =	shalt  }
0x7e: {  	_ =	shalt  }
0x7f: {  	_ =	shalt  }
0x80: {  	_ =	shalt  }
0x81: {  	_ =	shalt  }
0x82: {  	_ =	shalt  }
0x83: {  	_ =	shalt  }
0x84: {  	_ =	shalt  }
0x85: {  	_ =	shalt  }
0x86: {  	_ =	shalt  }
0x87: {  	_ =	shalt  }
.Lfunc_end0:
.L_simem_size_0:
called_computation.1_lowered:
.L_overlay_start_0:
0x88: {  	s2 =	sld [smem:$0x3FD9]  }
0x89: {  	s3 =	sld [smem:$0x3FFE];
	_ =	sdelay $0x1  }
0x8a: {  	s1 =	srdreg.scid  }
0x8b: {  	s0 =	sand.u32 $0x1, s1  }
0x8c: {  	s16 =	sshll.u32 s0, $0xA;
	s2 =	sadd.s32 s3, s2  }
0x8d: {  	s2 =	sadd.s32 s2, s16  }
0x8e: {  	[smem:$0x3FBE] =	sst s2  }
0x8f: {  	_ = 	snop  }
0x90: {  	(tm) =	ssettm $0x1  }
0x91: {  	s17 =	sld [smem:$0x3FFB];
	_ =	sdelay $0x3  }
0x92: {  	_ =	strace s17  }
0x93: {  	s2 =	sld [smem:$0x3FFC];
	_ =	sdelay $0x3  }
0x94: {  	_ =	strace s2  }
0x95: {  	s2 =	sld [smem:$0x3FFD];
	_ =	sdelay $0x3  }
0x96: {  	_ =	strace s2  }
0x97: {  	_ =	strace $0x8FFFFFFF  }
0x98: {  	s18 =	sld [smem:$0x3FDB];
	_ =	sdelay $0x1  }
0x99: {  	s19 =	simm.s32 $_scs_section_size  }
0x9a: {  	s4 =	simm.s32 $_size__tile_overlayer_lowered;
	s5 =	simm.s32 $_tile_overlayer_lowered  }
0x9b: {  	s22 =	simm.s32 $0x1BFF;
	s21 =	sshll.u32 s5, $0x1;
	s2 =	sadd.s32 s19, s18  }
0x9c: {  	s6 =	simm.s32 $0x0;
	s20 =	sshll.u32 s4, $0x1;
	s4 =	sadd.s32 s21, s2  }
0x9d: {  	[timem:s6], [sflag:s22] =	dma.local [hbm:s4], s20  }
0x9e: {  	_ =	swait.ge [sflag:s22], s20  }
0x9f: {  	s3 =	ssub.s32 $0x0, s20;
	[sflag:s22] =	ssyncset.done $0x0  }
0xa0: {  	[sflag:s22] =	ssyncadd.s32 s3;
	_ =	sdelay $0x1  }
0xa1: {  	s23 =	simm.s32 $0x1B8B  }
0xa2: {  	_ =	swait.ge [sflag:s23], $0x1  }
0xa3: {  	[sflag:s23] =	ssyncset.done $0x0  }
0xa4: {  	s25 =	simm.s32 $0x1B8E;
	s24 =	sld [smem:$0x3FFE];
	[sflag:s23] =	ssyncadd.s32 $0xFFFFFFFF  }
0xa5: {  	s26 =	simm.s32 $execute0_lowered;
	[smem:$0x3FD2] =	sst s25  }
0xa6: {  	s4 =	sshll.u32 s26, $0x1;
	_ =	strace $0x80000049;
	[dreg:$0x1] =	wrdreg $0xFFFFFFFF  }
0xa7: {  	s28 =	simm.s32 $_size_execute0_lowered;
	s2 =	sadd.s32 s2, s4;
	[dreg:$0x0] =	wrdreg $0x0  }
0xa8: {  	s4 =	sshll.u32 s28, $0x1;
	[dreg:$0x2] =	wrdreg s2  }
0xa9: {  	[dreg:$0x3] =	wrdreg s4  }
0xaa: {  	[dreg:$0x4] =	wrdreg $0xC0  }
0xab: {  	_ =	task [dreg:s6], $0x5FFFF  }
0xac: {  	[dreg:$0x1] =	wrdreg $0xFFFFFFFF  }
0xad: {  	[dreg:$0x0] =	wrdreg $0x60  }
0xae: {  	[dreg:$0x2] =	wrdreg s24  }
0xaf: {  	[dreg:$0x3] =	wrdreg $0x9000  }
0xb0: {  	[dreg:$0x4] =	wrdreg $0x9  }
0xb1: {  	_ =	task.clear_ibuf [dreg:s6], $0x5FFFF;
	_ =	strace $0x90000049  }
0xb2: {  	s29 =	simm.s32 $0x9;
	_ =	strace $0x8000004B  }
0xb3: {  	_ =	swait.ge [sflag:s29], $0x1  }
0xb4: {  	[sflag:s29] =	ssyncadd.s32 $0xFFFFFFFF  }
0xb5: {  	_ =	strace $0x9000004B  }
0xb6: {  	_ =	sfence  }
0xb7: {  	s30 =	sld [smem:$0x0];
	_ =	sdelay $0x2  }
0xb8: {  	s31 =	sshll.u32 s1, $0xD;
	s1 =	sshrl.u32 s1, $0x2  }
0xb9: {  	s3 =	sand.u32 $0x4000, s31;
	s1 =	sadd.s32 s1, s30  }
0xba: {  	s0 =	sor.u32 s3, s0;
	s1 =	sshll.u32 s1, $0x11  }
0xbb: {  	s0 =	sor.u32 s1, s0  }
0xbc: {  	s0 =	sadd.s32 $0x8F2B, s0  }
0xbd: {  	[sflag:s0] =	ssyncadd.remote.s32 $0x1  }
0xbe: {  	_ =	sfence.sel $0xFFFF  }
0xbf: {  	[dreg:$0x0] =	wrdreg $0xFFFFFFFF;
	(pc) =	sbr.abs _section_cstart, $3  }
0xc0: {  	[dreg:$0x1] =	wrdreg $0xFFFFFFFF  }
0xc1: {  	_ =	task.clear_ibuf [dreg:s6], $0x2FFFF;
	_ =	strace $0x9FFFFFFF  }
0xc2: {  	(tm) =	ssettm $0x7FFFFFFF  }
0xc3: {  	_ =	shalt  }
tec
execute0_lowered:
.L_overlay_start_1:
0x0: {  	(tag) =	ssettag $0x1  }
0x1: {  	s0 =	rddreg [dreg:$0x0]  }
0x2: {  	s2 =	rddreg [dreg:$0x1];
	s1 =	srdreg.scid  }
0x3: {  	s12 =	stileid.u32;
	s3 =	simm.s32 $0x0;
	s28 =	simm.s32 $0x4C80  }
0x4: {  	s29 =	simm.s32 $0x4D00;
	s30 =	simm.s32 $0x5500;
	s31 =	simm.s32 $0x5580  }
0x5: {  	s1 =	sand.u32 $0x1, s1;
	s5 =	smul.u32 $0x2800, s12;
	[smem:$0x7FF] =	sst s3  }
0x6: {  	s4 =	sadd.s32 $0x1200, s0;
	s7 =	sadd.s32 $0x37000, s0;
	s11 =	smul.u32 $0xA000, s12  }
0x7: {  	s8 =	sadd.s32 $0x2D200, s0;
	s14 =	smul.u32 $0x4F00, s12;
	s15 =	sshll.u32 s12, $0x1  }
0x8: {  	s6 =	smul.u32 $0x28000, s1;
	_ =	strace $0x8000004A;
	s9 =	ssub.s32 $0x2, s1  }
0x9: {  	s16 =	smul.u32 $0x2780, s1;
	s1 =	sor.u32 s1, s15;
	s10 =	sshrl.u32 s9, $0x1  }
0xa: {  	s11 =	sshrl.u32 s11, $0x2;
	s13 =	sadd.s32 s5, s2;
	s1 =	smul.u32 $0x2780, s1  }
0xb: {  	s6 =	sadd.s32 s5, s6;
	s17 =	sadd.s32 s11, s2;
	[dreg:$0xf] =	wrdreg s13  }
0xc: {  	s6 =	sshrl.u32 s6, $0x3;
	s18 =	sadd.s32 $0x800, s17;
	s19 =	sadd.s32 $0x1000, s17  }
0xd: {  	s20 =	sadd.s32 $0x1800, s17;
	s5 =	sadd.s32 $0x2000, s17;
	[dreg:$0x10] =	wrdreg s18  }
0xe: {  	s1 =	sshrl.u32 s1, $0x3;
	s0 =	sadd.s32 s6, s0;
	[dreg:$0x11] =	wrdreg s19  }
0xf: {  	s6 =	ssub.s32 s9, s10;
	s9 =	sadd.s32 s16, s14;
	[dreg:$0x12] =	wrdreg s20  }
0x10: {  	[dreg:$0x13] =	wrdreg s5;
	s1 =	sadd.s32 $0x4E0, s1;
	s21 =	sadd.s32 $0x280, s9  }
0x11: {  	s23 =	sadd.s32 $0x200, s9;
	s26 =	sadd.s32 $0x180, s9;
	s14 =	sadd.s32 $0x100, s9  }
0x12: {  	s18 =	sadd.s32 $0x80, s9;
	s9 =	sshrl.u32 s9, $0x3;
	s0 =	sadd.s32 $0x6200, s0  }
0x13: {  	s22 =	sshrl.u32 s21, $0x3;
	s24 =	sshrl.u32 s23, $0x3;
	s11 =	sshrl.u32 s26, $0x3  }
0x14: {  	s16 =	sshrl.u32 s14, $0x3;
	s21 =	sadd.s32 s7, s1;
	[dreg:$0x16] =	wrdreg s0  }
0x15: {  	s20 =	sshrl.u32 s18, $0x3;
	s1 =	sadd.s32 s8, s1;
	[dreg:$0x14] =	wrdreg s21  }
0x16: {  	s26 =	smax.u32 s6, $0x1;
	s14 =	simm.s32 $0x100;
	[dreg:$0x15] =	wrdreg s1  }
0x17: {  	s18 =	simm.s32 $0x3180;
	s10 =	sadd.s32 s22, s8;
	[dreg:$0x17] =	wrdreg s26  }
0x18: {  	s0 =	simm.s32 $0x5600;
	s5 =	sadd.s32 s22, s7;
	[dreg:$0x3] =	wrdreg s10  }
0x19: {  	s6 =	simm.s32 $0x2;
	s25 =	sadd.s32 s24, s8;
	[dreg:$0x4] =	wrdreg s5  }
0x1a: {  	s12 =	sadd.s32 s11, s8;
	s15 =	sadd.s32 s11, s7;
	[dreg:$0x5] =	wrdreg s25  }
0x1b: {  	s17 =	sadd.s32 s16, s8;
	s19 =	sadd.s32 s16, s7;
	[dreg:$0x7] =	wrdreg s12  }
0x1c: {  	s22 =	sadd.s32 s20, s8;
	s23 =	sadd.s32 s20, s7;
	[dreg:$0x8] =	wrdreg s15  }
0x1d: {  	s16 =	simm.s32 $0x80;
	s20 =	simm.s32 $0x3A00;
	[dreg:$0x9] =	wrdreg s17  }
0x1e: {  	s21 =	simm.s32 $0x3A80;
	s26 =	simm.s32 $0x4C00;
	[dreg:$0xa] =	wrdreg s19  }
0x1f: {  	s1 =	simm.s32 $0x1;
	s11 =	simm.s32 $0x0;
	[dreg:$0xb] =	wrdreg s22  }
0x20: {  	s10 =	sadd.s32 s24, s7;
	[dreg:$0xc] =	wrdreg s23;
	s24 =	sadd.s32 s9, s8  }
0x21: {  	s25 =	sadd.s32 s9, s7;
	s15 =	simm.s32 $0x7;
	s17 =	simm.s32 $0x3100  }
0x22: {  	s19 =	simm.s32 $0x3200;
	s22 =	simm.s32 $0x3B00;
	[dreg:$0x6] =	wrdreg s10  }
0x23: {  	s23 =	simm.s32 $0x4300;
	s7 =	simm.s32 $0x3;
	[dreg:$0xd] =	wrdreg s24  }
0x24: {  	s8 =	simm.s32 $0x4;
	s9 =	simm.s32 $0x5;
	[dreg:$0xe] =	wrdreg s25  }
0x25: {  	v0 =	vimm.f32 $0.0e+00;
	s24 =	simm.s32 $0x4380;
	s25 =	simm.s32 $0x4400;
	s10 =	simm.s32 $0x6  }
.LBB2_1:
0x26: {  	[dreg:$0x18] =	wrdreg s11;
	s5 =	simm.s32 $0x40;
	s11 =	simm.s32 $0x0  }
.LBB2_2:
0x27: {  	p0 =	sne.s32 s5, $0x1FC0;
	[tilespmem:s11+$0x100] =	vst v0;
	s11 =	smov.u32 s5;
	s5 =	sadd.s32 $0x40, s5  }
.Ltmp0:
0x28: {  	(pc) =	sbr.rel @p0 .LBB2_2-.Ltmp0, $2  }
0x29: {  	_ =	sdelay $0x2  }
0x2a: {  	s11 =	sshra.s32 s11, $0x2  }
0x2b: {  	[tilespmem:s11+$0x100] =	vst v0  }
0x2c: {  	[spmem:s13] =	stream.linear.scatter [tilespmem:s14], [sflag:$0x7], $0x800, $0x38;
	[tilespmem:$0x5E00] =	vst v63  }
0x2d: {  	_ =	swait.ge [sflag:s15], $0x800  }
0x2e: {  	[sflag:s15] =	ssyncset.done $0x0  }
0x2f: {  	s5 =	rddreg [dreg:$0x10];
	[sflag:s15] =	ssyncadd.s32 $0xFFFFF800  }
0x30: {  	[spmem:s5] =	stream.linear.scatter [tilespmem:s14], [sflag:$0x7], $0x800, $0x38;
	[tilespmem:$0x5E00] =	vst v63  }
0x31: {  	_ =	swait.ge [sflag:s15], $0x800  }
0x32: {  	[sflag:s15] =	ssyncset.done $0x0  }
0x33: {  	s11 =	rddreg [dreg:$0x11];
	[sflag:s15] =	ssyncadd.s32 $0xFFFFF800  }
0x34: {  	[spmem:s11] =	stream.linear.scatter [tilespmem:s14], [sflag:$0x7], $0x800, $0x38;
	[tilespmem:$0x5E00] =	vst v63  }
0x35: {  	_ =	swait.ge [sflag:s15], $0x800  }
0x36: {  	[sflag:s15] =	ssyncset.done $0x0  }
0x37: {  	s12 =	rddreg [dreg:$0x12];
	[sflag:s15] =	ssyncadd.s32 $0xFFFFF800  }
0x38: {  	[spmem:s12] =	stream.linear.scatter [tilespmem:s14], [sflag:$0x7], $0x800, $0x38;
	[tilespmem:$0x5E00] =	vst v63  }
0x39: {  	_ =	swait.ge [sflag:s15], $0x800  }
0x3a: {  	[sflag:s15] =	ssyncset.done $0x0  }
0x3b: {  	s13 =	rddreg [dreg:$0x13];
	[sflag:s15] =	ssyncadd.s32 $0xFFFFF800  }
0x3c: {  	[spmem:s13] =	stream.linear.scatter [tilespmem:s14], [sflag:$0x7], $0x800, $0x38;
	[tilespmem:$0x5E00] =	vst v63  }
0x3d: {  	_ =	swait.ge [sflag:s15], $0x800  }
0x3e: {  	[sflag:s15] =	ssyncset.done $0x0  }
0x3f: {  	[sflag:s15] =	ssyncadd.s32 $0xFFFFF800  }
0x40: {  	[bflag:$0x0] =	sbarrier.arrive $0xFFFF  }
0x41: {  	s11 =	rddreg [dreg:$0xe]  }
0x42: {  	s5 =	sadd.s32 $0x0, s11  }
0x43: {  	[tilespmem:s3], [sflag:$0x7] =	stream.linear.gather [hbm4b:s5+s3], $0x80, $0x38;
	[tilespmem:$0x5E00] =	vst v63  }
0x44: {  	_ =	swait.ge [sflag:s15], $0x80  }
0x45: {  	s12 =	rddreg [dreg:$0xd];
	[sflag:s15] =	ssyncset.done $0x0  }
0x46: {  	[sflag:s15] =	ssyncadd.s32 $0xFFFFFF80;
	s5 =	sadd.s32 $0x0, s12  }
0x47: {  	[tilespmem:s16], [sflag:$0x7] =	stream.linear.gather [hbm4b:s5+s3], $0x80, $0x38;
	[tilespmem:$0x5E00] =	vst v63  }
0x48: {  	_ =	swait.ge [sflag:s15], $0x80  }
0x49: {  	[sflag:s15] =	ssyncset.done $0x0  }
0x4a: {  	s13 =	rddreg [dreg:$0xc];
	[sflag:s15] =	ssyncadd.s32 $0xFFFFFF80  }
0x4b: {  	[tilespmem:s14], [sflag:$0x1] =	stream.indirect.gather [hbm4b:s4+s16], $0x10, s3, s16, $0xb8;
	[tilespmem:$0x5E00] =	vst v63  }
0x4c: {  	s5 =	sadd.s32 $0x0, s13  }
0x4d: {  	[tilespmem:s17], [sflag:$0x7] =	stream.linear.gather [hbm4b:s5+s3], $0x80, $0x38;
	[tilespmem:$0x5E00] =	vst v63  }
0x4e: {  	_ =	swait.ge [sflag:s15], $0x80  }
0x4f: {  	s11 =	rddreg [dreg:$0xb];
	[sflag:s15] =	ssyncset.done $0x0  }
0x50: {  	[sflag:s15] =	ssyncadd.s32 $0xFFFFFF80;
	s5 =	sadd.s32 $0x0, s11  }
0x51: {  	[tilespmem:s18], [sflag:$0x7] =	stream.linear.gather [hbm4b:s5+s3], $0x80, $0x38;
	[tilespmem:$0x5E00] =	vst v63  }
0x52: {  	_ =	swait.ge [sflag:s15], $0x80  }
0x53: {  	[sflag:s15] =	ssyncset.done $0x0  }
0x54: {  	s12 =	rddreg [dreg:$0xa];
	[sflag:s15] =	ssyncadd.s32 $0xFFFFFF80  }
0x55: {  	[tilespmem:s19], [sflag:$0x2] =	stream.indirect.gather [hbm4b:s4+s16], $0x10, s17, s16, $0xb8;
	[tilespmem:$0x5E00] =	vst v63  }
0x56: {  	s5 =	sadd.s32 $0x0, s12  }
0x57: {  	[tilespmem:s20], [sflag:$0x7] =	stream.linear.gather [hbm4b:s5+s3], $0x80, $0x38;
	[tilespmem:$0x5E00] =	vst v63  }
0x58: {  	_ =	swait.ge [sflag:s15], $0x80  }
0x59: {  	s13 =	rddreg [dreg:$0x9];
	[sflag:s15] =	ssyncset.done $0x0  }
0x5a: {  	[sflag:s15] =	ssyncadd.s32 $0xFFFFFF80;
	s5 =	sadd.s32 $0x0, s13  }
0x5b: {  	[tilespmem:s21], [sflag:$0x7] =	stream.linear.gather [hbm4b:s5+s3], $0x80, $0x38;
	[tilespmem:$0x5E00] =	vst v63  }
0x5c: {  	_ =	swait.ge [sflag:s15], $0x80  }
0x5d: {  	[sflag:s15] =	ssyncset.done $0x0  }
0x5e: {  	s11 =	rddreg [dreg:$0x8];
	[sflag:s15] =	ssyncadd.s32 $0xFFFFFF80  }
0x5f: {  	[tilespmem:s22], [sflag:$0x3] =	stream.indirect.gather [hbm4b:s4+s16], $0x10, s20, s16, $0xb8;
	[tilespmem:$0x5E00] =	vst v63  }
0x60: {  	s5 =	sadd.s32 $0x0, s11  }
0x61: {  	[tilespmem:s23], [sflag:$0x7] =	stream.linear.gather [hbm4b:s5+s3], $0x80, $0x38;
	[tilespmem:$0x5E00] =	vst v63  }
0x62: {  	_ =	swait.ge [sflag:s15], $0x80  }
0x63: {  	s12 =	rddreg [dreg:$0x7];
	[sflag:s15] =	ssyncset.done $0x0  }
0x64: {  	[sflag:s15] =	ssyncadd.s32 $0xFFFFFF80;
	s5 =	sadd.s32 $0x0, s12  }
0x65: {  	[tilespmem:s24], [sflag:$0x7] =	stream.linear.gather [hbm4b:s5+s3], $0x80, $0x38;
	[tilespmem:$0x5E00] =	vst v63  }
0x66: {  	_ =	swait.ge [sflag:s15], $0x80  }
0x67: {  	[sflag:s15] =	ssyncset.done $0x0  }
0x68: {  	s13 =	rddreg [dreg:$0x6];
	[sflag:s15] =	ssyncadd.s32 $0xFFFFFF80  }
0x69: {  	[tilespmem:s25], [sflag:$0x4] =	stream.indirect.gather [hbm4b:s4+s16], $0x10, s23, s16, $0xb8;
	[tilespmem:$0x5E00] =	vst v63  }
0x6a: {  	s5 =	sadd.s32 $0x0, s13  }
0x6b: {  	[tilespmem:s26], [sflag:$0x7] =	stream.linear.gather [hbm4b:s5+s3], $0x80, $0x38;
	[tilespmem:$0x5E00] =	vst v63  }
0x6c: {  	_ =	swait.ge [sflag:s15], $0x80  }
0x6d: {  	s11 =	rddreg [dreg:$0x5];
	[sflag:s15] =	ssyncset.done $0x0  }
0x6e: {  	[sflag:s15] =	ssyncadd.s32 $0xFFFFFF80;
	s5 =	sadd.s32 $0x0, s11  }
0x6f: {  	[tilespmem:s28], [sflag:$0x7] =	stream.linear.gather [hbm4b:s5+s3], $0x80, $0x38;
	[tilespmem:$0x5E00] =	vst v63  }
0x70: {  	_ =	swait.ge [sflag:s15], $0x80  }
0x71: {  	[sflag:s15] =	ssyncset.done $0x0  }
0x72: {  	s12 =	rddreg [dreg:$0x4];
	[sflag:s15] =	ssyncadd.s32 $0xFFFFFF80  }
0x73: {  	[tilespmem:s29], [sflag:$0x5] =	stream.indirect.gather [hbm4b:s4+s16], $0x10, s26, s16, $0xb8;
	[tilespmem:$0x5E00] =	vst v63  }
0x74: {  	s5 =	sadd.s32 $0x0, s12  }
0x75: {  	[tilespmem:s30], [sflag:$0x7] =	stream.linear.gather [hbm4b:s5+s3], $0x80, $0x38;
	[tilespmem:$0x5E00] =	vst v63  }
0x76: {  	_ =	swait.ge [sflag:s15], $0x80  }
0x77: {  	s13 =	rddreg [dreg:$0x3];
	[sflag:s15] =	ssyncset.done $0x0  }
0x78: {  	[sflag:s15] =	ssyncadd.s32 $0xFFFFFF80;
	s5 =	sadd.s32 $0x0, s13  }
0x79: {  	[tilespmem:s31], [sflag:$0x7] =	stream.linear.gather [hbm4b:s5+s3], $0x80, $0x38;
	[tilespmem:$0x5E00] =	vst v63  }
0x7a: {  	_ =	swait.ge [sflag:s15], $0x80  }
0x7b: {  	[sflag:s15] =	ssyncset.done $0x0  }
0x7c: {  	[sflag:s15] =	ssyncadd.s32 $0xFFFFFF80  }
0x7d: {  	[tilespmem:s0], [sflag:$0x6] =	stream.indirect.gather [hbm4b:s4+s16], $0x10, s30, s16, $0xb8;
	[tilespmem:$0x5E00] =	vst v63  }
0x7e: {  	_ =	swait.ge [sflag:s1], $0x800  }
0x7f: {  	[sflag:s1] =	ssyncset.done $0x0  }
0x80: {  	[sflag:s1] =	ssyncadd.s32 $0xFFFFF800  }
0x81: {  	[spmem:s2] =	stream.indirect.scatter.add.f32 [tilespmem:s14], [sflag:$0x7], $0x10, s16, s16, $0xb8;
	[tilespmem:$0x5E00] =	vst v63  }
0x82: {  	_ =	swait.ge [sflag:s15], $0x800  }
0x83: {  	[sflag:s15] =	ssyncset.done $0x0  }
0x84: {  	[sflag:s15] =	ssyncadd.s32 $0xFFFFF800  }
0x85: {  	_ =	swait.ge [sflag:s6], $0x800  }
0x86: {  	[sflag:s6] =	ssyncset.done $0x0  }
0x87: {  	[sflag:s6] =	ssyncadd.s32 $0xFFFFF800  }
0x88: {  	[spmem:s2] =	stream.indirect.scatter.add.f32 [tilespmem:s19], [sflag:$0x7], $0x10, s18, s16, $0xb8;
	[tilespmem:$0x5E00] =	vst v63  }
0x89: {  	_ =	swait.ge [sflag:s15], $0x800  }
0x8a: {  	[sflag:s15] =	ssyncset.done $0x0  }
0x8b: {  	[sflag:s15] =	ssyncadd.s32 $0xFFFFF800  }
0x8c: {  	_ =	swait.ge [sflag:s7], $0x800  }
0x8d: {  	[sflag:s7] =	ssyncset.done $0x0  }
0x8e: {  	[sflag:s7] =	ssyncadd.s32 $0xFFFFF800  }
0x8f: {  	[spmem:s2] =	stream.indirect.scatter.add.f32 [tilespmem:s22], [sflag:$0x7], $0x10, s21, s16, $0xb8;
	[tilespmem:$0x5E00] =	vst v63  }
0x90: {  	_ =	swait.ge [sflag:s15], $0x800  }
0x91: {  	[sflag:s15] =	ssyncset.done $0x0  }
0x92: {  	[sflag:s15] =	ssyncadd.s32 $0xFFFFF800  }
0x93: {  	_ =	swait.ge [sflag:s8], $0x800  }
0x94: {  	[sflag:s8] =	ssyncset.done $0x0  }
0x95: {  	[sflag:s8] =	ssyncadd.s32 $0xFFFFF800  }
0x96: {  	[spmem:s2] =	stream.indirect.scatter.add.f32 [tilespmem:s25], [sflag:$0x7], $0x10, s24, s16, $0xb8;
	[tilespmem:$0x5E00] =	vst v63  }
0x97: {  	_ =	swait.ge [sflag:s15], $0x800  }
0x98: {  	[sflag:s15] =	ssyncset.done $0x0  }
0x99: {  	[sflag:s15] =	ssyncadd.s32 $0xFFFFF800  }
0x9a: {  	_ =	swait.ge [sflag:s9], $0x800  }
0x9b: {  	[sflag:s9] =	ssyncset.done $0x0  }
0x9c: {  	[sflag:s9] =	ssyncadd.s32 $0xFFFFF800  }
0x9d: {  	[spmem:s2] =	stream.indirect.scatter.add.f32 [tilespmem:s29], [sflag:$0x7], $0x10, s28, s16, $0xb8;
	[tilespmem:$0x5E00] =	vst v63  }
0x9e: {  	_ =	swait.ge [sflag:s15], $0x800  }
0x9f: {  	[sflag:s15] =	ssyncset.done $0x0  }
0xa0: {  	[sflag:s15] =	ssyncadd.s32 $0xFFFFF800  }
0xa1: {  	_ =	swait.ge [sflag:s10], $0x800  }
0xa2: {  	[sflag:s10] =	ssyncset.done $0x0  }
0xa3: {  	[sflag:s10] =	ssyncadd.s32 $0xFFFFF800  }
0xa4: {  	[spmem:s2] =	stream.indirect.scatter.add.f32 [tilespmem:s0], [sflag:$0x7], $0x10, s31, s16, $0xb8;
	[tilespmem:$0x5E00] =	vst v63  }
0xa5: {  	s12 =	simm.s32 $0x60;
	_ =	swait.ge [sflag:s15], $0x800  }
0xa6: {  	s13 =	simm.s32 $0xC0;
	s11 =	rddreg [dreg:$0xe];
	[sflag:s15] =	ssyncset.done $0x0  }
.LBB2_4:
0xa7: {  	[sflag:s15] =	ssyncadd.s32 $0xFFFFF800;
	s11 =	sadd.s32 s12, s11  }
0xa8: {  	[tilespmem:s3], [sflag:$0x7] =	stream.linear.gather [hbm4b:s11+s3], $0x80, $0x38;
	[tilespmem:$0x5E00] =	vst v63  }
0xa9: {  	_ =	swait.ge [sflag:s15], $0x80  }
0xaa: {  	s11 =	rddreg [dreg:$0xd];
	[sflag:s15] =	ssyncset.done $0x0  }
0xab: {  	[sflag:s15] =	ssyncadd.s32 $0xFFFFFF80;
	s11 =	sadd.s32 s12, s11  }
0xac: {  	[tilespmem:s16], [sflag:$0x7] =	stream.linear.gather [hbm4b:s11+s3], $0x80, $0x38;
	[tilespmem:$0x5E00] =	vst v63  }
0xad: {  	_ =	swait.ge [sflag:s15], $0x80  }
0xae: {  	[sflag:s15] =	ssyncset.done $0x0  }
0xaf: {  	s11 =	rddreg [dreg:$0xc];
	[sflag:s15] =	ssyncadd.s32 $0xFFFFFF80  }
0xb0: {  	[tilespmem:s14], [sflag:$0x1] =	stream.indirect.gather [hbm4b:s4+s16], $0x10, s3, s16, $0xb8;
	[tilespmem:$0x5E00] =	vst v63  }
0xb1: {  	s11 =	sadd.s32 s12, s11  }
0xb2: {  	[tilespmem:s17], [sflag:$0x7] =	stream.linear.gather [hbm4b:s11+s3], $0x80, $0x38;
	[tilespmem:$0x5E00] =	vst v63  }
0xb3: {  	_ =	swait.ge [sflag:s15], $0x80  }
0xb4: {  	s11 =	rddreg [dreg:$0xb];
	[sflag:s15] =	ssyncset.done $0x0  }
0xb5: {  	[sflag:s15] =	ssyncadd.s32 $0xFFFFFF80;
	s11 =	sadd.s32 s12, s11  }
0xb6: {  	[tilespmem:s18], [sflag:$0x7] =	stream.linear.gather [hbm4b:s11+s3], $0x80, $0x38;
	[tilespmem:$0x5E00] =	vst v63  }
0xb7: {  	_ =	swait.ge [sflag:s15], $0x80  }
0xb8: {  	[sflag:s15] =	ssyncset.done $0x0  }
0xb9: {  	s11 =	rddreg [dreg:$0xa];
	[sflag:s15] =	ssyncadd.s32 $0xFFFFFF80  }
0xba: {  	[tilespmem:s19], [sflag:$0x2] =	stream.indirect.gather [hbm4b:s4+s16], $0x10, s17, s16, $0xb8;
	[tilespmem:$0x5E00] =	vst v63  }
0xbb: {  	s11 =	sadd.s32 s12, s11  }
0xbc: {  	[tilespmem:s20], [sflag:$0x7] =	stream.linear.gather [hbm4b:s11+s3], $0x80, $0x38;
	[tilespmem:$0x5E00] =	vst v63  }
0xbd: {  	_ =	swait.ge [sflag:s15], $0x80  }
0xbe: {  	s11 =	rddreg [dreg:$0x9];
	[sflag:s15] =	ssyncset.done $0x0  }
0xbf: {  	[sflag:s15] =	ssyncadd.s32 $0xFFFFFF80;
	s11 =	sadd.s32 s12, s11  }
0xc0: {  	[tilespmem:s21], [sflag:$0x7] =	stream.linear.gather [hbm4b:s11+s3], $0x80, $0x38;
	[tilespmem:$0x5E00] =	vst v63  }
0xc1: {  	_ =	swait.ge [sflag:s15], $0x80  }
0xc2: {  	[sflag:s15] =	ssyncset.done $0x0  }
0xc3: {  	s11 =	rddreg [dreg:$0x8];
	[sflag:s15] =	ssyncadd.s32 $0xFFFFFF80  }
0xc4: {  	[tilespmem:s22], [sflag:$0x3] =	stream.indirect.gather [hbm4b:s4+s16], $0x10, s20, s16, $0xb8;
	[tilespmem:$0x5E00] =	vst v63  }
0xc5: {  	s11 =	sadd.s32 s12, s11  }
0xc6: {  	[tilespmem:s23], [sflag:$0x7] =	stream.linear.gather [hbm4b:s11+s3], $0x80, $0x38;
	[tilespmem:$0x5E00] =	vst v63  }
0xc7: {  	_ =	swait.ge [sflag:s15], $0x80  }
0xc8: {  	s11 =	rddreg [dreg:$0x7];
	[sflag:s15] =	ssyncset.done $0x0  }
0xc9: {  	[sflag:s15] =	ssyncadd.s32 $0xFFFFFF80;
	s11 =	sadd.s32 s12, s11  }
0xca: {  	[tilespmem:s24], [sflag:$0x7] =	stream.linear.gather [hbm4b:s11+s3], $0x80, $0x38;
	[tilespmem:$0x5E00] =	vst v63  }
0xcb: {  	_ =	swait.ge [sflag:s15], $0x80  }
0xcc: {  	[sflag:s15] =	ssyncset.done $0x0  }
0xcd: {  	s11 =	rddreg [dreg:$0x6];
	[sflag:s15] =	ssyncadd.s32 $0xFFFFFF80  }
0xce: {  	[tilespmem:s25], [sflag:$0x4] =	stream.indirect.gather [hbm4b:s4+s16], $0x10, s23, s16, $0xb8;
	[tilespmem:$0x5E00] =	vst v63  }
0xcf: {  	s11 =	sadd.s32 s12, s11  }
0xd0: {  	[tilespmem:s26], [sflag:$0x7] =	stream.linear.gather [hbm4b:s11+s3], $0x80, $0x38;
	[tilespmem:$0x5E00] =	vst v63  }
0xd1: {  	_ =	swait.ge [sflag:s15], $0x80  }
0xd2: {  	s11 =	rddreg [dreg:$0x5];
	[sflag:s15] =	ssyncset.done $0x0  }
0xd3: {  	[sflag:s15] =	ssyncadd.s32 $0xFFFFFF80;
	s11 =	sadd.s32 s12, s11  }
0xd4: {  	[tilespmem:s28], [sflag:$0x7] =	stream.linear.gather [hbm4b:s11+s3], $0x80, $0x38;
	[tilespmem:$0x5E00] =	vst v63  }
0xd5: {  	_ =	swait.ge [sflag:s15], $0x80  }
0xd6: {  	[sflag:s15] =	ssyncset.done $0x0  }
0xd7: {  	s11 =	rddreg [dreg:$0x4];
	[sflag:s15] =	ssyncadd.s32 $0xFFFFFF80  }
0xd8: {  	[tilespmem:s29], [sflag:$0x5] =	stream.indirect.gather [hbm4b:s4+s16], $0x10, s26, s16, $0xb8;
	[tilespmem:$0x5E00] =	vst v63  }
0xd9: {  	s11 =	sadd.s32 s12, s11  }
0xda: {  	[tilespmem:s30], [sflag:$0x7] =	stream.linear.gather [hbm4b:s11+s3], $0x80, $0x38;
	[tilespmem:$0x5E00] =	vst v63  }
0xdb: {  	_ =	swait.ge [sflag:s15], $0x80  }
0xdc: {  	s11 =	rddreg [dreg:$0x3];
	[sflag:s15] =	ssyncset.done $0x0  }
0xdd: {  	[sflag:s15] =	ssyncadd.s32 $0xFFFFFF80;
	s11 =	sadd.s32 s12, s11  }
0xde: {  	[tilespmem:s31], [sflag:$0x7] =	stream.linear.gather [hbm4b:s11+s3], $0x80, $0x38;
	[tilespmem:$0x5E00] =	vst v63  }
0xdf: {  	_ =	swait.ge [sflag:s15], $0x80  }
0xe0: {  	[sflag:s15] =	ssyncset.done $0x0  }
0xe1: {  	[sflag:s15] =	ssyncadd.s32 $0xFFFFFF80  }
0xe2: {  	[tilespmem:s0], [sflag:$0x6] =	stream.indirect.gather [hbm4b:s4+s16], $0x10, s30, s16, $0xb8;
	[tilespmem:$0x5E00] =	vst v63  }
0xe3: {  	_ =	swait.ge [sflag:s1], $0x800  }
0xe4: {  	[sflag:s1] =	ssyncset.done $0x0  }
0xe5: {  	[sflag:s1] =	ssyncadd.s32 $0xFFFFF800  }
0xe6: {  	[spmem:s2] =	stream.indirect.scatter.add.f32 [tilespmem:s14], [sflag:$0x7], $0x10, s16, s16, $0xb8;
	[tilespmem:$0x5E00] =	vst v63  }
0xe7: {  	_ =	swait.ge [sflag:s15], $0x800  }
0xe8: {  	[sflag:s15] =	ssyncset.done $0x0  }
0xe9: {  	[sflag:s15] =	ssyncadd.s32 $0xFFFFF800  }
0xea: {  	_ =	swait.ge [sflag:s6], $0x800  }
0xeb: {  	[sflag:s6] =	ssyncset.done $0x0  }
0xec: {  	[sflag:s6] =	ssyncadd.s32 $0xFFFFF800  }
0xed: {  	[spmem:s2] =	stream.indirect.scatter.add.f32 [tilespmem:s19], [sflag:$0x7], $0x10, s18, s16, $0xb8;
	[tilespmem:$0x5E00] =	vst v63  }
0xee: {  	_ =	swait.ge [sflag:s15], $0x800  }
0xef: {  	[sflag:s15] =	ssyncset.done $0x0  }
0xf0: {  	[sflag:s15] =	ssyncadd.s32 $0xFFFFF800  }
0xf1: {  	_ =	swait.ge [sflag:s7], $0x800  }
0xf2: {  	[sflag:s7] =	ssyncset.done $0x0  }
0xf3: {  	[sflag:s7] =	ssyncadd.s32 $0xFFFFF800  }
0xf4: {  	[spmem:s2] =	stream.indirect.scatter.add.f32 [tilespmem:s22], [sflag:$0x7], $0x10, s21, s16, $0xb8;
	[tilespmem:$0x5E00] =	vst v63  }
0xf5: {  	_ =	swait.ge [sflag:s15], $0x800  }
0xf6: {  	[sflag:s15] =	ssyncset.done $0x0  }
0xf7: {  	[sflag:s15] =	ssyncadd.s32 $0xFFFFF800  }
0xf8: {  	_ =	swait.ge [sflag:s8], $0x800  }
0xf9: {  	[sflag:s8] =	ssyncset.done $0x0  }
0xfa: {  	[sflag:s8] =	ssyncadd.s32 $0xFFFFF800  }
0xfb: {  	[spmem:s2] =	stream.indirect.scatter.add.f32 [tilespmem:s25], [sflag:$0x7], $0x10, s24, s16, $0xb8;
	[tilespmem:$0x5E00] =	vst v63  }
0xfc: {  	_ =	swait.ge [sflag:s15], $0x800  }
0xfd: {  	[sflag:s15] =	ssyncset.done $0x0  }
0xfe: {  	[sflag:s15] =	ssyncadd.s32 $0xFFFFF800  }
0xff: {  	_ =	swait.ge [sflag:s9], $0x800  }
0x100: {  	[sflag:s9] =	ssyncset.done $0x0  }
0x101: {  	[sflag:s9] =	ssyncadd.s32 $0xFFFFF800  }
0x102: {  	[spmem:s2] =	stream.indirect.scatter.add.f32 [tilespmem:s29], [sflag:$0x7], $0x10, s28, s16, $0xb8;
	[tilespmem:$0x5E00] =	vst v63  }
0x103: {  	_ =	swait.ge [sflag:s15], $0x800  }
0x104: {  	[sflag:s15] =	ssyncset.done $0x0  }
0x105: {  	[sflag:s15] =	ssyncadd.s32 $0xFFFFF800  }
0x106: {  	p0 =	sne.s32 s13, $0x480;
	_ =	swait.ge [sflag:s10], $0x800  }
.Ltmp1:
0x107: {  	[sflag:s10] =	ssyncset.done $0x0;
	(pc) =	sbr.rel @p0 .LBB2_4-.Ltmp1, $4  }
0x108: {  	[sflag:s10] =	ssyncadd.s32 $0xFFFFF800  }
0x109: {  	[spmem:s2] =	stream.indirect.scatter.add.f32 [tilespmem:s0], [sflag:$0x7], $0x10, s31, s16, $0xb8;
	[tilespmem:$0x5E00] =	vst v63  }
0x10a: {  	s5 =	smov.u32 s13;
	s13 =	sadd.s32 $0x60, s13;
	_ =	swait.ge [sflag:s15], $0x800  }
0x10b: {  	s12 =	smov.u32 s5;
	s11 =	rddreg [dreg:$0xe];
	[sflag:s15] =	ssyncset.done $0x0  }
0x10c: {  	[sflag:s15] =	ssyncadd.s32 $0xFFFFF800;
	s5 =	sadd.s32 s12, s11  }
0x10d: {  	[tilespmem:s3], [sflag:$0x7] =	stream.linear.gather [hbm4b:s5+s3], $0x80, $0x38;
	[tilespmem:$0x5E00] =	vst v63  }
0x10e: {  	_ =	swait.ge [sflag:s15], $0x80  }
0x10f: {  	s13 =	rddreg [dreg:$0xd];
	[sflag:s15] =	ssyncset.done $0x0  }
0x110: {  	[sflag:s15] =	ssyncadd.s32 $0xFFFFFF80;
	s5 =	sadd.s32 s12, s13  }
0x111: {  	[tilespmem:s16], [sflag:$0x7] =	stream.linear.gather [hbm4b:s5+s3], $0x80, $0x38;
	[tilespmem:$0x5E00] =	vst v63  }
0x112: {  	_ =	swait.ge [sflag:s15], $0x80  }
0x113: {  	[sflag:s15] =	ssyncset.done $0x0  }
0x114: {  	s11 =	rddreg [dreg:$0xc];
	[sflag:s15] =	ssyncadd.s32 $0xFFFFFF80  }
0x115: {  	[tilespmem:s14], [sflag:$0x1] =	stream.indirect.gather [hbm4b:s4+s16], $0x10, s3, s16, $0xb8;
	[tilespmem:$0x5E00] =	vst v63  }
0x116: {  	s5 =	sadd.s32 s12, s11  }
0x117: {  	[tilespmem:s17], [sflag:$0x7] =	stream.linear.gather [hbm4b:s5+s3], $0x80, $0x38;
	[tilespmem:$0x5E00] =	vst v63  }
0x118: {  	_ =	swait.ge [sflag:s15], $0x80  }
0x119: {  	s13 =	rddreg [dreg:$0xb];
	[sflag:s15] =	ssyncset.done $0x0  }
0x11a: {  	[sflag:s15] =	ssyncadd.s32 $0xFFFFFF80;
	s5 =	sadd.s32 s12, s13  }
0x11b: {  	[tilespmem:s18], [sflag:$0x7] =	stream.linear.gather [hbm4b:s5+s3], $0x80, $0x38;
	[tilespmem:$0x5E00] =	vst v63  }
0x11c: {  	_ =	swait.ge [sflag:s15], $0x80  }
0x11d: {  	[sflag:s15] =	ssyncset.done $0x0  }
0x11e: {  	s11 =	rddreg [dreg:$0xa];
	[sflag:s15] =	ssyncadd.s32 $0xFFFFFF80  }
0x11f: {  	[tilespmem:s19], [sflag:$0x2] =	stream.indirect.gather [hbm4b:s4+s16], $0x10, s17, s16, $0xb8;
	[tilespmem:$0x5E00] =	vst v63  }
0x120: {  	s5 =	sadd.s32 s12, s11  }
0x121: {  	[tilespmem:s20], [sflag:$0x7] =	stream.linear.gather [hbm4b:s5+s3], $0x80, $0x38;
	[tilespmem:$0x5E00] =	vst v63  }
0x122: {  	_ =	swait.ge [sflag:s15], $0x80  }
0x123: {  	s13 =	rddreg [dreg:$0x9];
	[sflag:s15] =	ssyncset.done $0x0  }
0x124: {  	[sflag:s15] =	ssyncadd.s32 $0xFFFFFF80;
	s5 =	sadd.s32 s12, s13  }
0x125: {  	[tilespmem:s21], [sflag:$0x7] =	stream.linear.gather [hbm4b:s5+s3], $0x80, $0x38;
	[tilespmem:$0x5E00] =	vst v63  }
0x126: {  	_ =	swait.ge [sflag:s15], $0x80  }
0x127: {  	[sflag:s15] =	ssyncset.done $0x0  }
0x128: {  	s11 =	rddreg [dreg:$0x8];
	[sflag:s15] =	ssyncadd.s32 $0xFFFFFF80  }
0x129: {  	[tilespmem:s22], [sflag:$0x3] =	stream.indirect.gather [hbm4b:s4+s16], $0x10, s20, s16, $0xb8;
	[tilespmem:$0x5E00] =	vst v63  }
0x12a: {  	s5 =	sadd.s32 s12, s11  }
0x12b: {  	[tilespmem:s23], [sflag:$0x7] =	stream.linear.gather [hbm4b:s5+s3], $0x80, $0x38;
	[tilespmem:$0x5E00] =	vst v63  }
0x12c: {  	_ =	swait.ge [sflag:s15], $0x80  }
0x12d: {  	s13 =	rddreg [dreg:$0x7];
	[sflag:s15] =	ssyncset.done $0x0  }
0x12e: {  	[sflag:s15] =	ssyncadd.s32 $0xFFFFFF80;
	s5 =	sadd.s32 s12, s13  }
0x12f: {  	[tilespmem:s24], [sflag:$0x7] =	stream.linear.gather [hbm4b:s5+s3], $0x80, $0x38;
	[tilespmem:$0x5E00] =	vst v63  }
0x130: {  	_ =	swait.ge [sflag:s15], $0x80  }
0x131: {  	[sflag:s15] =	ssyncset.done $0x0  }
0x132: {  	s11 =	rddreg [dreg:$0x6];
	[sflag:s15] =	ssyncadd.s32 $0xFFFFFF80  }
0x133: {  	[tilespmem:s25], [sflag:$0x4] =	stream.indirect.gather [hbm4b:s4+s16], $0x10, s23, s16, $0xb8;
	[tilespmem:$0x5E00] =	vst v63  }
0x134: {  	s5 =	sadd.s32 s12, s11  }
0x135: {  	[tilespmem:s26], [sflag:$0x7] =	stream.linear.gather [hbm4b:s5+s3], $0x80, $0x38;
	[tilespmem:$0x5E00] =	vst v63  }
0x136: {  	_ =	swait.ge [sflag:s15], $0x80  }
0x137: {  	s13 =	rddreg [dreg:$0x5];
	[sflag:s15] =	ssyncset.done $0x0  }
0x138: {  	[sflag:s15] =	ssyncadd.s32 $0xFFFFFF80;
	s5 =	sadd.s32 s12, s13  }
0x139: {  	[tilespmem:s28], [sflag:$0x7] =	stream.linear.gather [hbm4b:s5+s3], $0x80, $0x38;
	[tilespmem:$0x5E00] =	vst v63  }
0x13a: {  	_ =	swait.ge [sflag:s15], $0x80  }
0x13b: {  	[sflag:s15] =	ssyncset.done $0x0  }
0x13c: {  	s11 =	rddreg [dreg:$0x4];
	[sflag:s15] =	ssyncadd.s32 $0xFFFFFF80  }
0x13d: {  	[tilespmem:s29], [sflag:$0x5] =	stream.indirect.gather [hbm4b:s4+s16], $0x10, s26, s16, $0xb8;
	[tilespmem:$0x5E00] =	vst v63  }
0x13e: {  	s5 =	sadd.s32 s12, s11  }
0x13f: {  	[tilespmem:s30], [sflag:$0x7] =	stream.linear.gather [hbm4b:s5+s3], $0x80, $0x38;
	[tilespmem:$0x5E00] =	vst v63  }
0x140: {  	_ =	swait.ge [sflag:s15], $0x80  }
0x141: {  	s13 =	rddreg [dreg:$0x3];
	[sflag:s15] =	ssyncset.done $0x0  }
0x142: {  	[sflag:s15] =	ssyncadd.s32 $0xFFFFFF80;
	s5 =	sadd.s32 s12, s13  }
0x143: {  	[tilespmem:s31], [sflag:$0x7] =	stream.linear.gather [hbm4b:s5+s3], $0x80, $0x38;
	[tilespmem:$0x5E00] =	vst v63  }
0x144: {  	_ =	swait.ge [sflag:s15], $0x80  }
0x145: {  	[sflag:s15] =	ssyncset.done $0x0  }
0x146: {  	[sflag:s15] =	ssyncadd.s32 $0xFFFFFF80  }
0x147: {  	[tilespmem:s0], [sflag:$0x6] =	stream.indirect.gather [hbm4b:s4+s16], $0x10, s30, s16, $0xb8;
	[tilespmem:$0x5E00] =	vst v63  }
0x148: {  	_ =	swait.ge [sflag:s1], $0x800  }
0x149: {  	[sflag:s1] =	ssyncset.done $0x0  }
0x14a: {  	[sflag:s1] =	ssyncadd.s32 $0xFFFFF800  }
0x14b: {  	[spmem:s2] =	stream.indirect.scatter.add.f32 [tilespmem:s14], [sflag:$0x7], $0x10, s16, s16, $0xb8;
	[tilespmem:$0x5E00] =	vst v63  }
0x14c: {  	_ =	swait.ge [sflag:s15], $0x800  }
0x14d: {  	[sflag:s15] =	ssyncset.done $0x0  }
0x14e: {  	[sflag:s15] =	ssyncadd.s32 $0xFFFFF800  }
0x14f: {  	_ =	swait.ge [sflag:s6], $0x800  }
0x150: {  	[sflag:s6] =	ssyncset.done $0x0  }
0x151: {  	[sflag:s6] =	ssyncadd.s32 $0xFFFFF800  }
0x152: {  	[spmem:s2] =	stream.indirect.scatter.add.f32 [tilespmem:s19], [sflag:$0x7], $0x10, s18, s16, $0xb8;
	[tilespmem:$0x5E00] =	vst v63  }
0x153: {  	_ =	swait.ge [sflag:s15], $0x800  }
0x154: {  	[sflag:s15] =	ssyncset.done $0x0  }
0x155: {  	[sflag:s15] =	ssyncadd.s32 $0xFFFFF800  }
0x156: {  	_ =	swait.ge [sflag:s7], $0x800  }
0x157: {  	[sflag:s7] =	ssyncset.done $0x0  }
0x158: {  	[sflag:s7] =	ssyncadd.s32 $0xFFFFF800  }
0x159: {  	[spmem:s2] =	stream.indirect.scatter.add.f32 [tilespmem:s22], [sflag:$0x7], $0x10, s21, s16, $0xb8;
	[tilespmem:$0x5E00] =	vst v63  }
0x15a: {  	_ =	swait.ge [sflag:s15], $0x800  }
0x15b: {  	[sflag:s15] =	ssyncset.done $0x0  }
0x15c: {  	[sflag:s15] =	ssyncadd.s32 $0xFFFFF800  }
0x15d: {  	_ =	swait.ge [sflag:s8], $0x800  }
0x15e: {  	[sflag:s8] =	ssyncset.done $0x0  }
0x15f: {  	[sflag:s8] =	ssyncadd.s32 $0xFFFFF800  }
0x160: {  	[spmem:s2] =	stream.indirect.scatter.add.f32 [tilespmem:s25], [sflag:$0x7], $0x10, s24, s16, $0xb8;
	[tilespmem:$0x5E00] =	vst v63  }
0x161: {  	_ =	swait.ge [sflag:s15], $0x800  }
0x162: {  	[sflag:s15] =	ssyncset.done $0x0  }
0x163: {  	[sflag:s15] =	ssyncadd.s32 $0xFFFFF800  }
0x164: {  	_ =	swait.ge [sflag:s9], $0x800  }
0x165: {  	[sflag:s9] =	ssyncset.done $0x0  }
0x166: {  	[sflag:s9] =	ssyncadd.s32 $0xFFFFF800  }
0x167: {  	[spmem:s2] =	stream.indirect.scatter.add.f32 [tilespmem:s29], [sflag:$0x7], $0x10, s28, s16, $0xb8;
	[tilespmem:$0x5E00] =	vst v63  }
0x168: {  	_ =	swait.ge [sflag:s15], $0x800  }
0x169: {  	[sflag:s15] =	ssyncset.done $0x0  }
0x16a: {  	[sflag:s15] =	ssyncadd.s32 $0xFFFFF800  }
0x16b: {  	_ =	swait.ge [sflag:s10], $0x800  }
0x16c: {  	[sflag:s10] =	ssyncset.done $0x0  }
0x16d: {  	[sflag:s10] =	ssyncadd.s32 $0xFFFFF800  }
0x16e: {  	[spmem:s2] =	stream.indirect.scatter.add.f32 [tilespmem:s0], [sflag:$0x7], $0x10, s31, s16, $0xb8;
	[tilespmem:$0x5E00] =	vst v63  }
0x16f: {  	_ =	swait.ge [sflag:s15], $0x800  }
0x170: {  	[sflag:s15] =	ssyncset.done $0x0  }
0x171: {  	s11 =	rddreg [dreg:$0x14];
	[sflag:s15] =	ssyncadd.s32 $0xFFFFF800  }
0x172: {  	[tilespmem:s3], [sflag:$0x7] =	stream.linear.gather [hbm4b:s11+s3], $0x80, $0x38;
	[tilespmem:$0x5E00] =	vst v63  }
0x173: {  	_ =	swait.ge [sflag:s15], $0x80  }
0x174: {  	[sflag:s15] =	ssyncset.done $0x0  }
0x175: {  	s12 =	rddreg [dreg:$0x15];
	[sflag:s15] =	ssyncadd.s32 $0xFFFFFF80  }
0x176: {  	[tilespmem:s16], [sflag:$0x7] =	stream.linear.gather [hbm4b:s12+s3], $0x80, $0x38;
	[tilespmem:$0x5E00] =	vst v63  }
0x177: {  	_ =	swait.ge [sflag:s15], $0x80  }
0x178: {  	[sflag:s15] =	ssyncset.done $0x0  }
0x179: {  	[sflag:s15] =	ssyncadd.s32 $0xFFFFFF80  }
0x17a: {  	[tilespmem:s14], [sflag:$0x1] =	stream.indirect.gather [hbm4b:s4+s16], $0x10, s3, s16, $0xb8;
	[tilespmem:$0x5E00] =	vst v63  }
0x17b: {  	_ =	swait.ge [sflag:s1], $0x800  }
0x17c: {  	[sflag:s1] =	ssyncset.done $0x0  }
0x17d: {  	[sflag:s1] =	ssyncadd.s32 $0xFFFFF800  }
0x17e: {  	[spmem:s2] =	stream.indirect.scatter.add.f32 [tilespmem:s14], [sflag:$0x7], $0x10, s16, s16, $0xb8;
	[tilespmem:$0x5E00] =	vst v63  }
0x17f: {  	_ =	swait.ge [sflag:s15], $0x800  }
0x180: {  	[sflag:s15] =	ssyncset.done $0x0  }
0x181: {  	[sflag:s15] =	ssyncadd.s32 $0xFFFFF800  }
0x182: {  	s13 =	stileid.u32;
	[bflag:$0x0] =	sbarrier.arrive $0xFFFF  }
0x183: {  	s5 =	sshll.u32 s13, $0x6;
	s13 =	rddreg [dreg:$0xf]  }
0x184: {  	s5 =	sor.u32 $0x1C07, s5;
	s12 =	rddreg [dreg:$0x16];
	s11 =	sshrl.u32 s13, $0x3  }
0x185: {  	[hbm:s12], [sflag:s5] =	dma.local [spmem:s11], $0x500  }
0x186: {  	_ =	swait.ge [sflag:s15], $0x500  }
0x187: {  	s5 =	rddreg [dreg:$0x18]  }
0x188: {  	s12 =	rddreg [dreg:$0x17];
	s11 =	sadd.s32 $0x1, s5  }
0x189: {  	p0 =	sne.s32 s11, s12  }
.Ltmp2:
0x18a: {  	_ = 	snop;
	(pc) =	sbr.rel @p0 .LBB2_1-.Ltmp2, $3  }
0x18b: {  	_ =	sdelay $0x1  }
0x18c: {  	[sflag:s15] =	ssyncset.done $0x0  }
0x18d: {  	[sflag:s15] =	ssyncadd.s32 $0xFFFFFB00  }
0x18e: {  	_ =	sfence.sel $0x180000  }
0x18f: {  	[bflag:$0x0] =	sbarrier.arrive $0xFFFF  }
0x190: {  	_ =	strace $0x9000004A  }
0x191: {  	s0 =	stileid.u32;
	[bflag:$0x2] =	sbarrier.arrive $0xFFFF  }
0x192: {  	p0 =	sne.s32 s0, $0x0;
	s0 =	rddreg [dreg:$0x2]  }
0x193: {  	s0 =	sadd.s32 @!p0 $0x100000, s0  }
0x194: {  	[sflag:s0] =	ssyncadd.tile.s32 @!p0 $0x1;
	_ =	shalt  }
.Lfunc_end2:
_tile_overlayer_lowered:
.L_overlay_start_2:
0x195: {  	(tag) =	ssettag $0x2  }
0x196: {  	s0 =	rddreg [dreg:$0x0];
	s2 =	stileid.u32  }
0x197: {  	s1 =	rddreg [dreg:$0x1];
	p0 =	sne.s32 s2, $0x0  }
0x198: {  	s3 =	rddreg [dreg:$0x2];
	[bflag:$0x3] =	sbarrier.arrive $0xFFFF;
	s2 =	simm.s32 @!p0 $0x1C07  }
0x199: {  	[timem:s3], [sflag:s2] =	dma.local @!p0 [hbm:s0], s1  }
0x19a: {  	s0 =	simm.s32 @!p0 $0x7  }
0x19b: {  	_ =	swait.ge @!p0 [sflag:s0], s1  }
0x19c: {  	s1 =	ssub.s32 @!p0 $0x0, s1;
	[sflag:s0] =	ssyncset.done @!p0 $0x0  }
0x19d: {  	[sflag:s0] =	ssyncadd.s32 @!p0 s1  }
0x19e: {  	[bflag:$0x3] =	sbarrier.arrive $0xFFFF  }
0x19f: {  	_ =	shalt  }

</sc_bundles>
